<compile_context>
chip_gen: v7x
topology: tpu7x:2x2x1
jax: 0.10.2.dev20260603
libtpu: 0.0.44.dev20260713+nightly
codegen_flags: <defaults>
</compile_context>

<pallas_src>
import functools

import jax
import jax.numpy as jnp
from jax import lax
from jax.experimental import pallas as pl
from jax.experimental.pallas import tpu as pltpu
from jax.experimental.pallas import tpu_sc as plsc

_B = 16384
_D = 32
_V = 100000
_NC = 2
_NS = 16
_NW = _NC * _NS
_L = 16
_CB = 4096
_NCHUNK = _B // _CB
_UNROLL = 8


@functools.partial(
    pl.kernel,
    mesh=plsc.VectorSubcoreMesh(core_axis_name="c", subcore_axis_name="s"),
    out_type=jax.ShapeDtypeStruct((_D, _B), jnp.float32),
    scratch_types=[
        pltpu.VMEM((_V,), jnp.float32),
        pltpu.VMEM((2, _CB), jnp.int32),
        pltpu.VMEM((2, _CB), jnp.float32),
        pltpu.SemaphoreType.DMA,
        pltpu.SemaphoreType.DMA,
        pltpu.SemaphoreType.DMA,
    ],
    compiler_params=pltpu.CompilerParams(
        use_tc_tiling_on_sc=True, needs_layout_passes=False,
        disable_bounds_checks=True
    ),
)
def _sc_gather(idx_hbm, tab_hbm, out_hbm, col_v, idx_v, out_v, tsem, isem, osem):
    wid = lax.axis_index("c") * _NS + lax.axis_index("s")
    tab_cp = pltpu.async_copy(tab_hbm.at[wid, :], col_v, tsem)
    pltpu.async_copy(idx_hbm.at[pl.ds(0, _CB)], idx_v.at[0], isem)
    tab_cp.wait()

    def run_chunk(k, buf, nbuf):
        pltpu.make_async_copy(
            idx_hbm.at[pl.ds(0, _CB)], idx_v.at[buf], isem
        ).wait()
        if k + 1 < _NCHUNK:
            pltpu.async_copy(
                idx_hbm.at[pl.ds((k + 1) * _CB, _CB)], idx_v.at[nbuf], isem
            )
        if k >= 2:
            pltpu.make_async_copy(
                out_v.at[buf], out_hbm.at[wid, pl.ds(0, _CB)], osem
            ).wait()

        @plsc.parallel_loop(0, _CB, _L, unroll=_UNROLL)
        def _gather(o):
            iv = idx_v[buf, pl.ds(o, _L)]
            out_v[buf, pl.ds(o, _L)] = plsc.load_gather(col_v, [iv])
        pltpu.async_copy(
            out_v.at[buf], out_hbm.at[wid, pl.ds(k * _CB, _CB)], osem
        )

    for k in range(_NCHUNK):
        run_chunk(k, k % 2, (k + 1) % 2)
    for k in range(_NCHUNK - 2, _NCHUNK):
        pltpu.make_async_copy(
            out_v.at[k % 2], out_hbm.at[wid, pl.ds(0, _CB)], osem
        ).wait()


def kernel(skills, table):
    idx = skills.astype(jnp.int32)
    out_t = _sc_gather(idx, table.T)
    return out_t.T

# --- scband reference (transcript-rebuilt; emitter-appended) ---
"""Pipeline reference for scband-skill-embedding-41223096107650 (READ-ONLY COPY).

The authoritative reference and input builder live on the scoring server;
editing this copy changes nothing except your own understanding.
"""

import jax, jax.numpy as jnp
import numpy as np

SKILL_DIM = 100000
EMBED_DIM = 32
BATCH = 16384

def setup_inputs(seed: int = 0) -> dict:
    key = jax.random.key(seed)
    k_idx, k_tab = jax.random.split(key)
    skills = jax.random.randint(k_idx, (BATCH,), 0, SKILL_DIM, dtype=jnp.int64 if jax.config.read('jax_enable_x64') else jnp.int32)
    # nn.Embedding default init: N(0, 1)
    table = jax.random.normal(k_tab, (SKILL_DIM, EMBED_DIM), dtype=jnp.float32)
    return {"skills": skills, "table": table}

def reference(skills, table):
    # skills.to(int).squeeze(); squeeze is a no-op for a 1-D index tensor
    idx = jnp.squeeze(skills.astype(jnp.int32))
    # nn.Embedding lookup -> gather rows
    return jnp.take(table, idx, axis=0)

if __name__ == "__main__":
    import jax
    _d = setup_inputs()
    print(jax.jit(kernel)(*tuple(_d.values())))

</pallas_src>

<mosaic_0001>
#map = affine_map<(d0, d1) -> (0)>
#map1 = affine_map<(d0, d1) -> (0, 0)>
module attributes {stable_mosaic.version = 14 : i64} {
  func.func @_sc_gather(%arg0: i32, %arg1: i32, %arg2: memref<16384xi32, #tpu.memory_space<hbm>>, %arg3: memref<32x100000xf32, #tpu.memory_space<hbm>>, %arg4: memref<32x16384xf32, #tpu.memory_space<hbm>>, %arg5: memref<100000xf32, #tpu.memory_space<vmem>>, %arg6: memref<2x4096xi32, #tpu.memory_space<vmem>>, %arg7: memref<2x4096xf32, #tpu.memory_space<vmem>>, %arg8: memref<!tpu.dma_semaphore, #tpu.memory_space<semaphore_mem>>, %arg9: memref<!tpu.dma_semaphore, #tpu.memory_space<semaphore_mem>>, %arg10: memref<!tpu.dma_semaphore, #tpu.memory_space<semaphore_mem>>) attributes {dimension_semantics = [#tpu.dimension_semantics<core_parallel>, #tpu.dimension_semantics<subcore_parallel>], iteration_bounds = array<i64: 2, 16>, scalar_prefetch = 0 : i64, scratch_operands = 6 : i64, tpu.core_type = #tpu.core_type<sc_vector_subcore>, window_params = [{transform_indices = #map}, {transform_indices = #map1}, {transform_indices = #map1}]} {
    %mul3A = arith.constant 16 : i32
    %mul3A_0 = arith.muli %arg0, %mul3A : i32
    %add3A = arith.addi %mul3A_0, %arg1 : i32
    %dma_start3A = arith.constant 0 : i32
    %dma_start3A_1 = tpu.memref_slice %arg3[%add3A, %dma_start3A] : memref<32x100000xf32, #tpu.memory_space<hbm>> -> memref<1x100000xf32, #tpu.memory_space<hbm>>
    %dma_start3A_2 = tpu.memref_squeeze %dma_start3A_1 : memref<1x100000xf32, #tpu.memory_space<hbm>> -> memref<100000xf32, #tpu.memory_space<hbm>>
    %dma_start3A_3 = arith.constant 0 : i32
    %dma_start3A_4 = tpu.memref_slice %arg3[%add3A, %dma_start3A_3] : memref<32x100000xf32, #tpu.memory_space<hbm>> -> memref<1x100000xf32, #tpu.memory_space<hbm>>
    %dma_start3A_5 = tpu.memref_squeeze %dma_start3A_4 : memref<1x100000xf32, #tpu.memory_space<hbm>> -> memref<100000xf32, #tpu.memory_space<hbm>>
    tpu.enqueue_dma source(%dma_start3A_5 : memref<100000xf32, #tpu.memory_space<hbm>>) target(%arg5 : memref<100000xf32, #tpu.memory_space<vmem>>) target_semaphore(%arg8 : memref<!tpu.dma_semaphore, #tpu.memory_space<semaphore_mem>>)
    %dma_start3A_6 = arith.constant 0 : i32
    %dma_start3A_7 = arith.constant 0 : i32
    %dma_start3A_8 = tpu.memref_slice %arg6[%dma_start3A_6, %dma_start3A_7] : memref<2x4096xi32, #tpu.memory_space<vmem>> -> memref<1x4096xi32, #tpu.memory_space<vmem>>
    %dma_start3A_9 = tpu.memref_squeeze %dma_start3A_8 : memref<1x4096xi32, #tpu.memory_space<vmem>> -> memref<4096xi32, #tpu.memory_space<vmem>>
    %dma_start3A_10 = arith.constant 0 : i32
    %dma_start3A_11 = tpu.memref_slice %arg2[%dma_start3A_10] : memref<16384xi32, #tpu.memory_space<hbm>> -> memref<4096xi32, #tpu.memory_space<hbm>>
    %dma_start3A_12 = arith.constant 0 : i32
    %dma_start3A_13 = tpu.memref_slice %arg6[%dma_start3A_6, %dma_start3A_12] : memref<2x4096xi32, #tpu.memory_space<vmem>> -> memref<1x4096xi32, #tpu.memory_space<vmem>>
    %dma_start3A_14 = tpu.memref_squeeze %dma_start3A_13 : memref<1x4096xi32, #tpu.memory_space<vmem>> -> memref<4096xi32, #tpu.memory_space<vmem>>
    %dma_start3A_15 = arith.constant 0 : i32
    %dma_start3A_16 = tpu.memref_slice %arg2[%dma_start3A_15] : memref<16384xi32, #tpu.memory_space<hbm>> -> memref<4096xi32, #tpu.memory_space<hbm>>
    tpu.enqueue_dma source(%dma_start3A_16 : memref<4096xi32, #tpu.memory_space<hbm>>) target(%dma_start3A_14 : memref<4096xi32, #tpu.memory_space<vmem>>) target_semaphore(%arg9 : memref<!tpu.dma_semaphore, #tpu.memory_space<semaphore_mem>>)
    %dma_wait3A = arith.constant 0 : i32
    %dma_wait3A_17 = tpu.memref_slice %arg3[%add3A, %dma_wait3A] : memref<32x100000xf32, #tpu.memory_space<hbm>> -> memref<1x100000xf32, #tpu.memory_space<hbm>>
    %dma_wait3A_18 = tpu.memref_squeeze %dma_wait3A_17 : memref<1x100000xf32, #tpu.memory_space<hbm>> -> memref<100000xf32, #tpu.memory_space<hbm>>
    %dma_wait3A_19 = arith.constant 0 : i32
    %dma_wait3A_20 = tpu.memref_slice %arg3[%add3A, %dma_wait3A_19] : memref<32x100000xf32, #tpu.memory_space<hbm>> -> memref<1x100000xf32, #tpu.memory_space<hbm>>
    %dma_wait3A_21 = tpu.memref_squeeze %dma_wait3A_20 : memref<1x100000xf32, #tpu.memory_space<hbm>> -> memref<100000xf32, #tpu.memory_space<hbm>>
    tpu.wait_dma2 semaphore(%arg8 : memref<!tpu.dma_semaphore, #tpu.memory_space<semaphore_mem>>) src(%dma_wait3A_21 : memref<100000xf32, #tpu.memory_space<hbm>>) dst(%arg5 : memref<100000xf32, #tpu.memory_space<vmem>>)
    %dma_wait3A_22 = arith.constant 0 : i32
    %dma_wait3A_23 = arith.constant 0 : i32
    %dma_wait3A_24 = tpu.memref_slice %arg6[%dma_wait3A_22, %dma_wait3A_23] : memref<2x4096xi32, #tpu.memory_space<vmem>> -> memref<1x4096xi32, #tpu.memory_space<vmem>>
    %dma_wait3A_25 = tpu.memref_squeeze %dma_wait3A_24 : memref<1x4096xi32, #tpu.memory_space<vmem>> -> memref<4096xi32, #tpu.memory_space<vmem>>
    %dma_wait3A_26 = arith.constant 0 : i32
    %dma_wait3A_27 = tpu.memref_slice %arg2[%dma_wait3A_26] : memref<16384xi32, #tpu.memory_space<hbm>> -> memref<4096xi32, #tpu.memory_space<hbm>>
    %dma_wait3A_28 = arith.constant 0 : i32
    %dma_wait3A_29 = tpu.memref_slice %arg6[%dma_wait3A_22, %dma_wait3A_28] : memref<2x4096xi32, #tpu.memory_space<vmem>> -> memref<1x4096xi32, #tpu.memory_space<vmem>>
    %dma_wait3A_30 = tpu.memref_squeeze %dma_wait3A_29 : memref<1x4096xi32, #tpu.memory_space<vmem>> -> memref<4096xi32, #tpu.memory_space<vmem>>
    %dma_wait3A_31 = arith.constant 0 : i32
    %dma_wait3A_32 = tpu.memref_slice %arg2[%dma_wait3A_31] : memref<16384xi32, #tpu.memory_space<hbm>> -> memref<4096xi32, #tpu.memory_space<hbm>>
    tpu.wait_dma2 semaphore(%arg9 : memref<!tpu.dma_semaphore, #tpu.memory_space<semaphore_mem>>) src(%dma_wait3A_32 : memref<4096xi32, #tpu.memory_space<hbm>>) dst(%dma_wait3A_30 : memref<4096xi32, #tpu.memory_space<vmem>>)
    %dma_start3A_33 = arith.constant 1 : i32
    %dma_start3A_34 = arith.constant 0 : i32
    %dma_start3A_35 = tpu.memref_slice %arg6[%dma_start3A_33, %dma_start3A_34] : memref<2x4096xi32, #tpu.memory_space<vmem>> -> memref<1x4096xi32, #tpu.memory_space<vmem>>
    %dma_start3A_36 = tpu.memref_squeeze %dma_start3A_35 : memref<1x4096xi32, #tpu.memory_space<vmem>> -> memref<4096xi32, #tpu.memory_space<vmem>>
    %dma_start3A_37 = arith.constant 4096 : i32
    %dma_start3A_38 = tpu.memref_slice %arg2[%dma_start3A_37] : memref<16384xi32, #tpu.memory_space<hbm>> -> memref<4096xi32, #tpu.memory_space<hbm>>
    %dma_start3A_39 = arith.constant 0 : i32
    %dma_start3A_40 = tpu.memref_slice %arg6[%dma_start3A_33, %dma_start3A_39] : memref<2x4096xi32, #tpu.memory_space<vmem>> -> memref<1x4096xi32, #tpu.memory_space<vmem>>
    %dma_start3A_41 = tpu.memref_squeeze %dma_start3A_40 : memref<1x4096xi32, #tpu.memory_space<vmem>> -> memref<4096xi32, #tpu.memory_space<vmem>>
    %dma_start3A_42 = arith.constant 4096 : i32
    %dma_start3A_43 = tpu.memref_slice %arg2[%dma_start3A_42] : memref<16384xi32, #tpu.memory_space<hbm>> -> memref<4096xi32, #tpu.memory_space<hbm>>
    tpu.enqueue_dma source(%dma_start3A_43 : memref<4096xi32, #tpu.memory_space<hbm>>) target(%dma_start3A_41 : memref<4096xi32, #tpu.memory_space<vmem>>) target_semaphore(%arg9 : memref<!tpu.dma_semaphore, #tpu.memory_space<semaphore_mem>>)
    %parallel_loop3A = arith.constant 0 : i32
    %parallel_loop3A_44 = arith.constant 4096 : i32
    %parallel_loop3A_45 = arith.constant 16 : i32
    scf.for %parallel_loop3A_214 = %parallel_loop3A to %parallel_loop3A_44 step %parallel_loop3A_45  : i32 {
      %parallel_loop3A_215 = arith.constant 0 : i32
      %parallel_loop3A_216 = arith.index_cast %parallel_loop3A_215 : i32 to index
      %parallel_loop3A_217 = arith.index_cast %parallel_loop3A_214 : i32 to index
      %parallel_loop3A_218 = tpu.vector_load %arg6[%parallel_loop3A_216, %parallel_loop3A_217] {strides = array<i32>} : memref<2x4096xi32, #tpu.memory_space<vmem>>, vector<16xi32>,
      %parallel_loop3A_219 = tpu.vector_load_idx %arg5[%parallel_loop3A_218] : memref<100000xf32, #tpu.memory_space<vmem>>[vector<16xi32>], vector<16xf32>,
      %parallel_loop3A_220 = arith.constant 0 : i32
      %parallel_loop3A_221 = arith.index_cast %parallel_loop3A_220 : i32 to index
      %parallel_loop3A_222 = arith.index_cast %parallel_loop3A_214 : i32 to index
      %parallel_loop3A_223 = tpu.vector_load %arg7[%parallel_loop3A_221, %parallel_loop3A_222] {strides = array<i32>} : memref<2x4096xf32, #tpu.memory_space<vmem>>, vector<16xf32>,
      tpu.vector_store %arg7[%parallel_loop3A_221, %parallel_loop3A_222], %parallel_loop3A_219 {strides = array<i32>} : memref<2x4096xf32, #tpu.memory_space<vmem>>, vector<16xf32>,
    } {sc.loop_unroll_factor = 8 : i64, sc.parallel_access}
    %dma_start3A_46 = arith.constant 0 : i32
    %dma_start3A_47 = arith.constant 0 : i32
    %dma_start3A_48 = tpu.memref_slice %arg7[%dma_start3A_46, %dma_start3A_47] : memref<2x4096xf32, #tpu.memory_space<vmem>> -> memref<1x4096xf32, #tpu.memory_space<vmem>>
    %dma_start3A_49 = tpu.memref_squeeze %dma_start3A_48 : memref<1x4096xf32, #tpu.memory_space<vmem>> -> memref<4096xf32, #tpu.memory_space<vmem>>
    %dma_start3A_50 = arith.constant 0 : i32
    %dma_start3A_51 = tpu.memref_slice %arg4[%add3A, %dma_start3A_50] : memref<32x16384xf32, #tpu.memory_space<hbm>> -> memref<1x4096xf32, #tpu.memory_space<hbm>>
    %dma_start3A_52 = tpu.memref_squeeze %dma_start3A_51 : memref<1x4096xf32, #tpu.memory_space<hbm>> -> memref<4096xf32, #tpu.memory_space<hbm>>
    %dma_start3A_53 = arith.constant 0 : i32
    %dma_start3A_54 = tpu.memref_slice %arg4[%add3A, %dma_start3A_53] : memref<32x16384xf32, #tpu.memory_space<hbm>> -> memref<1x4096xf32, #tpu.memory_space<hbm>>
    %dma_start3A_55 = tpu.memref_squeeze %dma_start3A_54 : memref<1x4096xf32, #tpu.memory_space<hbm>> -> memref<4096xf32, #tpu.memory_space<hbm>>
    %dma_start3A_56 = arith.constant 0 : i32
    %dma_start3A_57 = tpu.memref_slice %arg7[%dma_start3A_46, %dma_start3A_56] : memref<2x4096xf32, #tpu.memory_space<vmem>> -> memref<1x4096xf32, #tpu.memory_space<vmem>>
    %dma_start3A_58 = tpu.memref_squeeze %dma_start3A_57 : memref<1x4096xf32, #tpu.memory_space<vmem>> -> memref<4096xf32, #tpu.memory_space<vmem>>
    tpu.enqueue_dma source(%dma_start3A_58 : memref<4096xf32, #tpu.memory_space<vmem>>) target(%dma_start3A_55 : memref<4096xf32, #tpu.memory_space<hbm>>) target_semaphore(%arg10 : memref<!tpu.dma_semaphore, #tpu.memory_space<semaphore_mem>>)
    %dma_wait3A_59 = arith.constant 1 : i32
    %dma_wait3A_60 = arith.constant 0 : i32
    %dma_wait3A_61 = tpu.memref_slice %arg6[%dma_wait3A_59, %dma_wait3A_60] : memref<2x4096xi32, #tpu.memory_space<vmem>> -> memref<1x4096xi32, #tpu.memory_space<vmem>>
    %dma_wait3A_62 = tpu.memref_squeeze %dma_wait3A_61 : memref<1x4096xi32, #tpu.memory_space<vmem>> -> memref<4096xi32, #tpu.memory_space<vmem>>
    %dma_wait3A_63 = arith.constant 0 : i32
    %dma_wait3A_64 = tpu.memref_slice %arg2[%dma_wait3A_63] : memref<16384xi32, #tpu.memory_space<hbm>> -> memref<4096xi32, #tpu.memory_space<hbm>>
    %dma_wait3A_65 = arith.constant 0 : i32
    %dma_wait3A_66 = tpu.memref_slice %arg6[%dma_wait3A_59, %dma_wait3A_65] : memref<2x4096xi32, #tpu.memory_space<vmem>> -> memref<1x4096xi32, #tpu.memory_space<vmem>>
    %dma_wait3A_67 = tpu.memref_squeeze %dma_wait3A_66 : memref<1x4096xi32, #tpu.memory_space<vmem>> -> memref<4096xi32, #tpu.memory_space<vmem>>
    %dma_wait3A_68 = arith.constant 0 : i32
    %dma_wait3A_69 = tpu.memref_slice %arg2[%dma_wait3A_68] : memref<16384xi32, #tpu.memory_space<hbm>> -> memref<4096xi32, #tpu.memory_space<hbm>>
    tpu.wait_dma2 semaphore(%arg9 : memref<!tpu.dma_semaphore, #tpu.memory_space<semaphore_mem>>) src(%dma_wait3A_69 : memref<4096xi32, #tpu.memory_space<hbm>>) dst(%dma_wait3A_67 : memref<4096xi32, #tpu.memory_space<vmem>>)
    %dma_start3A_70 = arith.constant 0 : i32
    %dma_start3A_71 = arith.constant 0 : i32
    %dma_start3A_72 = tpu.memref_slice %arg6[%dma_start3A_70, %dma_start3A_71] : memref<2x4096xi32, #tpu.memory_space<vmem>> -> memref<1x4096xi32, #tpu.memory_space<vmem>>
    %dma_start3A_73 = tpu.memref_squeeze %dma_start3A_72 : memref<1x4096xi32, #tpu.memory_space<vmem>> -> memref<4096xi32, #tpu.memory_space<vmem>>
    %dma_start3A_74 = arith.constant 8192 : i32
    %dma_start3A_75 = tpu.memref_slice %arg2[%dma_start3A_74] : memref<16384xi32, #tpu.memory_space<hbm>> -> memref<4096xi32, #tpu.memory_space<hbm>>
    %dma_start3A_76 = arith.constant 0 : i32
    %dma_start3A_77 = tpu.memref_slice %arg6[%dma_start3A_70, %dma_start3A_76] : memref<2x4096xi32, #tpu.memory_space<vmem>> -> memref<1x4096xi32, #tpu.memory_space<vmem>>
    %dma_start3A_78 = tpu.memref_squeeze %dma_start3A_77 : memref<1x4096xi32, #tpu.memory_space<vmem>> -> memref<4096xi32, #tpu.memory_space<vmem>>
    %dma_start3A_79 = arith.constant 8192 : i32
    %dma_start3A_80 = tpu.memref_slice %arg2[%dma_start3A_79] : memref<16384xi32, #tpu.memory_space<hbm>> -> memref<4096xi32, #tpu.memory_space<hbm>>
    tpu.enqueue_dma source(%dma_start3A_80 : memref<4096xi32, #tpu.memory_space<hbm>>) target(%dma_start3A_78 : memref<4096xi32, #tpu.memory_space<vmem>>) target_semaphore(%arg9 : memref<!tpu.dma_semaphore, #tpu.memory_space<semaphore_mem>>)
    %parallel_loop3A_81 = arith.constant 0 : i32
    %parallel_loop3A_82 = arith.constant 4096 : i32
    %parallel_loop3A_83 = arith.constant 16 : i32
    scf.for %parallel_loop3A_214 = %parallel_loop3A_81 to %parallel_loop3A_82 step %parallel_loop3A_83  : i32 {
      %parallel_loop3A_215 = arith.constant 1 : i32
      %parallel_loop3A_216 = arith.index_cast %parallel_loop3A_215 : i32 to index
      %parallel_loop3A_217 = arith.index_cast %parallel_loop3A_214 : i32 to index
      %parallel_loop3A_218 = tpu.vector_load %arg6[%parallel_loop3A_216, %parallel_loop3A_217] {strides = array<i32>} : memref<2x4096xi32, #tpu.memory_space<vmem>>, vector<16xi32>,
      %parallel_loop3A_219 = tpu.vector_load_idx %arg5[%parallel_loop3A_218] : memref<100000xf32, #tpu.memory_space<vmem>>[vector<16xi32>], vector<16xf32>,
      %parallel_loop3A_220 = arith.constant 1 : i32
      %parallel_loop3A_221 = arith.index_cast %parallel_loop3A_220 : i32 to index
      %parallel_loop3A_222 = arith.index_cast %parallel_loop3A_214 : i32 to index
      %parallel_loop3A_223 = tpu.vector_load %arg7[%parallel_loop3A_221, %parallel_loop3A_222] {strides = array<i32>} : memref<2x4096xf32, #tpu.memory_space<vmem>>, vector<16xf32>,
      tpu.vector_store %arg7[%parallel_loop3A_221, %parallel_loop3A_222], %parallel_loop3A_219 {strides = array<i32>} : memref<2x4096xf32, #tpu.memory_space<vmem>>, vector<16xf32>,
    } {sc.loop_unroll_factor = 8 : i64, sc.parallel_access}
    %dma_start3A_84 = arith.constant 1 : i32
    %dma_start3A_85 = arith.constant 0 : i32
    %dma_start3A_86 = tpu.memref_slice %arg7[%dma_start3A_84, %dma_start3A_85] : memref<2x4096xf32, #tpu.memory_space<vmem>> -> memref<1x4096xf32, #tpu.memory_space<vmem>>
    %dma_start3A_87 = tpu.memref_squeeze %dma_start3A_86 : memref<1x4096xf32, #tpu.memory_space<vmem>> -> memref<4096xf32, #tpu.memory_space<vmem>>
    %dma_start3A_88 = arith.constant 4096 : i32
    %dma_start3A_89 = tpu.memref_slice %arg4[%add3A, %dma_start3A_88] : memref<32x16384xf32, #tpu.memory_space<hbm>> -> memref<1x4096xf32, #tpu.memory_space<hbm>>
    %dma_start3A_90 = tpu.memref_squeeze %dma_start3A_89 : memref<1x4096xf32, #tpu.memory_space<hbm>> -> memref<4096xf32, #tpu.memory_space<hbm>>
    %dma_start3A_91 = arith.constant 4096 : i32
    %dma_start3A_92 = tpu.memref_slice %arg4[%add3A, %dma_start3A_91] : memref<32x16384xf32, #tpu.memory_space<hbm>> -> memref<1x4096xf32, #tpu.memory_space<hbm>>
    %dma_start3A_93 = tpu.memref_squeeze %dma_start3A_92 : memref<1x4096xf32, #tpu.memory_space<hbm>> -> memref<4096xf32, #tpu.memory_space<hbm>>
    %dma_start3A_94 = arith.constant 0 : i32
    %dma_start3A_95 = tpu.memref_slice %arg7[%dma_start3A_84, %dma_start3A_94] : memref<2x4096xf32, #tpu.memory_space<vmem>> -> memref<1x4096xf32, #tpu.memory_space<vmem>>
    %dma_start3A_96 = tpu.memref_squeeze %dma_start3A_95 : memref<1x4096xf32, #tpu.memory_space<vmem>> -> memref<4096xf32, #tpu.memory_space<vmem>>
    tpu.enqueue_dma source(%dma_start3A_96 : memref<4096xf32, #tpu.memory_space<vmem>>) target(%dma_start3A_93 : memref<4096xf32, #tpu.memory_space<hbm>>) target_semaphore(%arg10 : memref<!tpu.dma_semaphore, #tpu.memory_space<semaphore_mem>>)
    %dma_wait3A_97 = arith.constant 0 : i32
    %dma_wait3A_98 = arith.constant 0 : i32
    %dma_wait3A_99 = tpu.memref_slice %arg6[%dma_wait3A_97, %dma_wait3A_98] : memref<2x4096xi32, #tpu.memory_space<vmem>> -> memref<1x4096xi32, #tpu.memory_space<vmem>>
    %dma_wait3A_100 = tpu.memref_squeeze %dma_wait3A_99 : memref<1x4096xi32, #tpu.memory_space<vmem>> -> memref<4096xi32, #tpu.memory_space<vmem>>
    %dma_wait3A_101 = arith.constant 0 : i32
    %dma_wait3A_102 = tpu.memref_slice %arg2[%dma_wait3A_101] : memref<16384xi32, #tpu.memory_space<hbm>> -> memref<4096xi32, #tpu.memory_space<hbm>>
    %dma_wait3A_103 = arith.constant 0 : i32
    %dma_wait3A_104 = tpu.memref_slice %arg6[%dma_wait3A_97, %dma_wait3A_103] : memref<2x4096xi32, #tpu.memory_space<vmem>> -> memref<1x4096xi32, #tpu.memory_space<vmem>>
    %dma_wait3A_105 = tpu.memref_squeeze %dma_wait3A_104 : memref<1x4096xi32, #tpu.memory_space<vmem>> -> memref<4096xi32, #tpu.memory_space<vmem>>
    %dma_wait3A_106 = arith.constant 0 : i32
    %dma_wait3A_107 = tpu.memref_slice %arg2[%dma_wait3A_106] : memref<16384xi32, #tpu.memory_space<hbm>> -> memref<4096xi32, #tpu.memory_space<hbm>>
    tpu.wait_dma2 semaphore(%arg9 : memref<!tpu.dma_semaphore, #tpu.memory_space<semaphore_mem>>) src(%dma_wait3A_107 : memref<4096xi32, #tpu.memory_space<hbm>>) dst(%dma_wait3A_105 : memref<4096xi32, #tpu.memory_space<vmem>>)
    %dma_start3A_108 = arith.constant 1 : i32
    %dma_start3A_109 = arith.constant 0 : i32
    %dma_start3A_110 = tpu.memref_slice %arg6[%dma_start3A_108, %dma_start3A_109] : memref<2x4096xi32, #tpu.memory_space<vmem>> -> memref<1x4096xi32, #tpu.memory_space<vmem>>
    %dma_start3A_111 = tpu.memref_squeeze %dma_start3A_110 : memref<1x4096xi32, #tpu.memory_space<vmem>> -> memref<4096xi32, #tpu.memory_space<vmem>>
    %dma_start3A_112 = arith.constant 12288 : i32
    %dma_start3A_113 = tpu.memref_slice %arg2[%dma_start3A_112] : memref<16384xi32, #tpu.memory_space<hbm>> -> memref<4096xi32, #tpu.memory_space<hbm>>
    %dma_start3A_114 = arith.constant 0 : i32
    %dma_start3A_115 = tpu.memref_slice %arg6[%dma_start3A_108, %dma_start3A_114] : memref<2x4096xi32, #tpu.memory_space<vmem>> -> memref<1x4096xi32, #tpu.memory_space<vmem>>
    %dma_start3A_116 = tpu.memref_squeeze %dma_start3A_115 : memref<1x4096xi32, #tpu.memory_space<vmem>> -> memref<4096xi32, #tpu.memory_space<vmem>>
    %dma_start3A_117 = arith.constant 12288 : i32
    %dma_start3A_118 = tpu.memref_slice %arg2[%dma_start3A_117] : memref<16384xi32, #tpu.memory_space<hbm>> -> memref<4096xi32, #tpu.memory_space<hbm>>
    tpu.enqueue_dma source(%dma_start3A_118 : memref<4096xi32, #tpu.memory_space<hbm>>) target(%dma_start3A_116 : memref<4096xi32, #tpu.memory_space<vmem>>) target_semaphore(%arg9 : memref<!tpu.dma_semaphore, #tpu.memory_space<semaphore_mem>>)
    %dma_wait3A_119 = arith.constant 0 : i32
    %dma_wait3A_120 = arith.constant 0 : i32
    %dma_wait3A_121 = tpu.memref_slice %arg7[%dma_wait3A_119, %dma_wait3A_120] : memref<2x4096xf32, #tpu.memory_space<vmem>> -> memref<1x4096xf32, #tpu.memory_space<vmem>>
    %dma_wait3A_122 = tpu.memref_squeeze %dma_wait3A_121 : memref<1x4096xf32, #tpu.memory_space<vmem>> -> memref<4096xf32, #tpu.memory_space<vmem>>
    %dma_wait3A_123 = arith.constant 0 : i32
    %dma_wait3A_124 = tpu.memref_slice %arg4[%add3A, %dma_wait3A_123] : memref<32x16384xf32, #tpu.memory_space<hbm>> -> memref<1x4096xf32, #tpu.memory_space<hbm>>
    %dma_wait3A_125 = tpu.memref_squeeze %dma_wait3A_124 : memref<1x4096xf32, #tpu.memory_space<hbm>> -> memref<4096xf32, #tpu.memory_space<hbm>>
    %dma_wait3A_126 = arith.constant 0 : i32
    %dma_wait3A_127 = tpu.memref_slice %arg4[%add3A, %dma_wait3A_126] : memref<32x16384xf32, #tpu.memory_space<hbm>> -> memref<1x4096xf32, #tpu.memory_space<hbm>>
    %dma_wait3A_128 = tpu.memref_squeeze %dma_wait3A_127 : memref<1x4096xf32, #tpu.memory_space<hbm>> -> memref<4096xf32, #tpu.memory_space<hbm>>
    %dma_wait3A_129 = arith.constant 0 : i32
    %dma_wait3A_130 = tpu.memref_slice %arg7[%dma_wait3A_119, %dma_wait3A_129] : memref<2x4096xf32, #tpu.memory_space<vmem>> -> memref<1x4096xf32, #tpu.memory_space<vmem>>
    %dma_wait3A_131 = tpu.memref_squeeze %dma_wait3A_130 : memref<1x4096xf32, #tpu.memory_space<vmem>> -> memref<4096xf32, #tpu.memory_space<vmem>>
    tpu.wait_dma2 semaphore(%arg10 : memref<!tpu.dma_semaphore, #tpu.memory_space<semaphore_mem>>) src(%dma_wait3A_131 : memref<4096xf32, #tpu.memory_space<vmem>>) dst(%dma_wait3A_128 : memref<4096xf32, #tpu.memory_space<hbm>>)
    %parallel_loop3A_132 = arith.constant 0 : i32
    %parallel_loop3A_133 = arith.constant 4096 : i32
    %parallel_loop3A_134 = arith.constant 16 : i32
    scf.for %parallel_loop3A_214 = %parallel_loop3A_132 to %parallel_loop3A_133 step %parallel_loop3A_134  : i32 {
      %parallel_loop3A_215 = arith.constant 0 : i32
      %parallel_loop3A_216 = arith.index_cast %parallel_loop3A_215 : i32 to index
      %parallel_loop3A_217 = arith.index_cast %parallel_loop3A_214 : i32 to index
      %parallel_loop3A_218 = tpu.vector_load %arg6[%parallel_loop3A_216, %parallel_loop3A_217] {strides = array<i32>} : memref<2x4096xi32, #tpu.memory_space<vmem>>, vector<16xi32>,
      %parallel_loop3A_219 = tpu.vector_load_idx %arg5[%parallel_loop3A_218] : memref<100000xf32, #tpu.memory_space<vmem>>[vector<16xi32>], vector<16xf32>,
      %parallel_loop3A_220 = arith.constant 0 : i32
      %parallel_loop3A_221 = arith.index_cast %parallel_loop3A_220 : i32 to index
      %parallel_loop3A_222 = arith.index_cast %parallel_loop3A_214 : i32 to index
      %parallel_loop3A_223 = tpu.vector_load %arg7[%parallel_loop3A_221, %parallel_loop3A_222] {strides = array<i32>} : memref<2x4096xf32, #tpu.memory_space<vmem>>, vector<16xf32>,
      tpu.vector_store %arg7[%parallel_loop3A_221, %parallel_loop3A_222], %parallel_loop3A_219 {strides = array<i32>} : memref<2x4096xf32, #tpu.memory_space<vmem>>, vector<16xf32>,
    } {sc.loop_unroll_factor = 8 : i64, sc.parallel_access}
    %dma_start3A_135 = arith.constant 0 : i32
    %dma_start3A_136 = arith.constant 0 : i32
    %dma_start3A_137 = tpu.memref_slice %arg7[%dma_start3A_135, %dma_start3A_136] : memref<2x4096xf32, #tpu.memory_space<vmem>> -> memref<1x4096xf32, #tpu.memory_space<vmem>>
    %dma_start3A_138 = tpu.memref_squeeze %dma_start3A_137 : memref<1x4096xf32, #tpu.memory_space<vmem>> -> memref<4096xf32, #tpu.memory_space<vmem>>
    %dma_start3A_139 = arith.constant 8192 : i32
    %dma_start3A_140 = tpu.memref_slice %arg4[%add3A, %dma_start3A_139] : memref<32x16384xf32, #tpu.memory_space<hbm>> -> memref<1x4096xf32, #tpu.memory_space<hbm>>
    %dma_start3A_141 = tpu.memref_squeeze %dma_start3A_140 : memref<1x4096xf32, #tpu.memory_space<hbm>> -> memref<4096xf32, #tpu.memory_space<hbm>>
    %dma_start3A_142 = arith.constant 8192 : i32
    %dma_start3A_143 = tpu.memref_slice %arg4[%add3A, %dma_start3A_142] : memref<32x16384xf32, #tpu.memory_space<hbm>> -> memref<1x4096xf32, #tpu.memory_space<hbm>>
    %dma_start3A_144 = tpu.memref_squeeze %dma_start3A_143 : memref<1x4096xf32, #tpu.memory_space<hbm>> -> memref<4096xf32, #tpu.memory_space<hbm>>
    %dma_start3A_145 = arith.constant 0 : i32
    %dma_start3A_146 = tpu.memref_slice %arg7[%dma_start3A_135, %dma_start3A_145] : memref<2x4096xf32, #tpu.memory_space<vmem>> -> memref<1x4096xf32, #tpu.memory_space<vmem>>
    %dma_start3A_147 = tpu.memref_squeeze %dma_start3A_146 : memref<1x4096xf32, #tpu.memory_space<vmem>> -> memref<4096xf32, #tpu.memory_space<vmem>>
    tpu.enqueue_dma source(%dma_start3A_147 : memref<4096xf32, #tpu.memory_space<vmem>>) target(%dma_start3A_144 : memref<4096xf32, #tpu.memory_space<hbm>>) target_semaphore(%arg10 : memref<!tpu.dma_semaphore, #tpu.memory_space<semaphore_mem>>)
    %dma_wait3A_148 = arith.constant 1 : i32
    %dma_wait3A_149 = arith.constant 0 : i32
    %dma_wait3A_150 = tpu.memref_slice %arg6[%dma_wait3A_148, %dma_wait3A_149] : memref<2x4096xi32, #tpu.memory_space<vmem>> -> memref<1x4096xi32, #tpu.memory_space<vmem>>
    %dma_wait3A_151 = tpu.memref_squeeze %dma_wait3A_150 : memref<1x4096xi32, #tpu.memory_space<vmem>> -> memref<4096xi32, #tpu.memory_space<vmem>>
    %dma_wait3A_152 = arith.constant 0 : i32
    %dma_wait3A_153 = tpu.memref_slice %arg2[%dma_wait3A_152] : memref<16384xi32, #tpu.memory_space<hbm>> -> memref<4096xi32, #tpu.memory_space<hbm>>
    %dma_wait3A_154 = arith.constant 0 : i32
    %dma_wait3A_155 = tpu.memref_slice %arg6[%dma_wait3A_148, %dma_wait3A_154] : memref<2x4096xi32, #tpu.memory_space<vmem>> -> memref<1x4096xi32, #tpu.memory_space<vmem>>
    %dma_wait3A_156 = tpu.memref_squeeze %dma_wait3A_155 : memref<1x4096xi32, #tpu.memory_space<vmem>> -> memref<4096xi32, #tpu.memory_space<vmem>>
    %dma_wait3A_157 = arith.constant 0 : i32
    %dma_wait3A_158 = tpu.memref_slice %arg2[%dma_wait3A_157] : memref<16384xi32, #tpu.memory_space<hbm>> -> memref<4096xi32, #tpu.memory_space<hbm>>
    tpu.wait_dma2 semaphore(%arg9 : memref<!tpu.dma_semaphore, #tpu.memory_space<semaphore_mem>>) src(%dma_wait3A_158 : memref<4096xi32, #tpu.memory_space<hbm>>) dst(%dma_wait3A_156 : memref<4096xi32, #tpu.memory_space<vmem>>)
    %dma_wait3A_159 = arith.constant 1 : i32
    %dma_wait3A_160 = arith.constant 0 : i32
    %dma_wait3A_161 = tpu.memref_slice %arg7[%dma_wait3A_159, %dma_wait3A_160] : memref<2x4096xf32, #tpu.memory_space<vmem>> -> memref<1x4096xf32, #tpu.memory_space<vmem>>
    %dma_wait3A_162 = tpu.memref_squeeze %dma_wait3A_161 : memref<1x4096xf32, #tpu.memory_space<vmem>> -> memref<4096xf32, #tpu.memory_space<vmem>>
    %dma_wait3A_163 = arith.constant 0 : i32
    %dma_wait3A_164 = tpu.memref_slice %arg4[%add3A, %dma_wait3A_163] : memref<32x16384xf32, #tpu.memory_space<hbm>> -> memref<1x4096xf32, #tpu.memory_space<hbm>>
    %dma_wait3A_165 = tpu.memref_squeeze %dma_wait3A_164 : memref<1x4096xf32, #tpu.memory_space<hbm>> -> memref<4096xf32, #tpu.memory_space<hbm>>
    %dma_wait3A_166 = arith.constant 0 : i32
    %dma_wait3A_167 = tpu.memref_slice %arg4[%add3A, %dma_wait3A_166] : memref<32x16384xf32, #tpu.memory_space<hbm>> -> memref<1x4096xf32, #tpu.memory_space<hbm>>
    %dma_wait3A_168 = tpu.memref_squeeze %dma_wait3A_167 : memref<1x4096xf32, #tpu.memory_space<hbm>> -> memref<4096xf32, #tpu.memory_space<hbm>>
    %dma_wait3A_169 = arith.constant 0 : i32
    %dma_wait3A_170 = tpu.memref_slice %arg7[%dma_wait3A_159, %dma_wait3A_169] : memref<2x4096xf32, #tpu.memory_space<vmem>> -> memref<1x4096xf32, #tpu.memory_space<vmem>>
    %dma_wait3A_171 = tpu.memref_squeeze %dma_wait3A_170 : memref<1x4096xf32, #tpu.memory_space<vmem>> -> memref<4096xf32, #tpu.memory_space<vmem>>
    tpu.wait_dma2 semaphore(%arg10 : memref<!tpu.dma_semaphore, #tpu.memory_space<semaphore_mem>>) src(%dma_wait3A_171 : memref<4096xf32, #tpu.memory_space<vmem>>) dst(%dma_wait3A_168 : memref<4096xf32, #tpu.memory_space<hbm>>)
    %parallel_loop3A_172 = arith.constant 0 : i32
    %parallel_loop3A_173 = arith.constant 4096 : i32
    %parallel_loop3A_174 = arith.constant 16 : i32
    scf.for %parallel_loop3A_214 = %parallel_loop3A_172 to %parallel_loop3A_173 step %parallel_loop3A_174  : i32 {
      %parallel_loop3A_215 = arith.constant 1 : i32
      %parallel_loop3A_216 = arith.index_cast %parallel_loop3A_215 : i32 to index
      %parallel_loop3A_217 = arith.index_cast %parallel_loop3A_214 : i32 to index
      %parallel_loop3A_218 = tpu.vector_load %arg6[%parallel_loop3A_216, %parallel_loop3A_217] {strides = array<i32>} : memref<2x4096xi32, #tpu.memory_space<vmem>>, vector<16xi32>,
      %parallel_loop3A_219 = tpu.vector_load_idx %arg5[%parallel_loop3A_218] : memref<100000xf32, #tpu.memory_space<vmem>>[vector<16xi32>], vector<16xf32>,
      %parallel_loop3A_220 = arith.constant 1 : i32
      %parallel_loop3A_221 = arith.index_cast %parallel_loop3A_220 : i32 to index
      %parallel_loop3A_222 = arith.index_cast %parallel_loop3A_214 : i32 to index
      %parallel_loop3A_223 = tpu.vector_load %arg7[%parallel_loop3A_221, %parallel_loop3A_222] {strides = array<i32>} : memref<2x4096xf32, #tpu.memory_space<vmem>>, vector<16xf32>,
      tpu.vector_store %arg7[%parallel_loop3A_221, %parallel_loop3A_222], %parallel_loop3A_219 {strides = array<i32>} : memref<2x4096xf32, #tpu.memory_space<vmem>>, vector<16xf32>,
    } {sc.loop_unroll_factor = 8 : i64, sc.parallel_access}
    %dma_start3A_175 = arith.constant 1 : i32
    %dma_start3A_176 = arith.constant 0 : i32
    %dma_start3A_177 = tpu.memref_slice %arg7[%dma_start3A_175, %dma_start3A_176] : memref<2x4096xf32, #tpu.memory_space<vmem>> -> memref<1x4096xf32, #tpu.memory_space<vmem>>
    %dma_start3A_178 = tpu.memref_squeeze %dma_start3A_177 : memref<1x4096xf32, #tpu.memory_space<vmem>> -> memref<4096xf32, #tpu.memory_space<vmem>>
    %dma_start3A_179 = arith.constant 12288 : i32
    %dma_start3A_180 = tpu.memref_slice %arg4[%add3A, %dma_start3A_179] : memref<32x16384xf32, #tpu.memory_space<hbm>> -> memref<1x4096xf32, #tpu.memory_space<hbm>>
    %dma_start3A_181 = tpu.memref_squeeze %dma_start3A_180 : memref<1x4096xf32, #tpu.memory_space<hbm>> -> memref<4096xf32, #tpu.memory_space<hbm>>
    %dma_start3A_182 = arith.constant 12288 : i32
    %dma_start3A_183 = tpu.memref_slice %arg4[%add3A, %dma_start3A_182] : memref<32x16384xf32, #tpu.memory_space<hbm>> -> memref<1x4096xf32, #tpu.memory_space<hbm>>
    %dma_start3A_184 = tpu.memref_squeeze %dma_start3A_183 : memref<1x4096xf32, #tpu.memory_space<hbm>> -> memref<4096xf32, #tpu.memory_space<hbm>>
    %dma_start3A_185 = arith.constant 0 : i32
    %dma_start3A_186 = tpu.memref_slice %arg7[%dma_start3A_175, %dma_start3A_185] : memref<2x4096xf32, #tpu.memory_space<vmem>> -> memref<1x4096xf32, #tpu.memory_space<vmem>>
    %dma_start3A_187 = tpu.memref_squeeze %dma_start3A_186 : memref<1x4096xf32, #tpu.memory_space<vmem>> -> memref<4096xf32, #tpu.memory_space<vmem>>
    tpu.enqueue_dma source(%dma_start3A_187 : memref<4096xf32, #tpu.memory_space<vmem>>) target(%dma_start3A_184 : memref<4096xf32, #tpu.memory_space<hbm>>) target_semaphore(%arg10 : memref<!tpu.dma_semaphore, #tpu.memory_space<semaphore_mem>>)
    %dma_wait3A_188 = arith.constant 0 : i32
    %dma_wait3A_189 = arith.constant 0 : i32
    %dma_wait3A_190 = tpu.memref_slice %arg7[%dma_wait3A_188, %dma_wait3A_189] : memref<2x4096xf32, #tpu.memory_space<vmem>> -> memref<1x4096xf32, #tpu.memory_space<vmem>>
    %dma_wait3A_191 = tpu.memref_squeeze %dma_wait3A_190 : memref<1x4096xf32, #tpu.memory_space<vmem>> -> memref<4096xf32, #tpu.memory_space<vmem>>
    %dma_wait3A_192 = arith.constant 0 : i32
    %dma_wait3A_193 = tpu.memref_slice %arg4[%add3A, %dma_wait3A_192] : memref<32x16384xf32, #tpu.memory_space<hbm>> -> memref<1x4096xf32, #tpu.memory_space<hbm>>
    %dma_wait3A_194 = tpu.memref_squeeze %dma_wait3A_193 : memref<1x4096xf32, #tpu.memory_space<hbm>> -> memref<4096xf32, #tpu.memory_space<hbm>>
    %dma_wait3A_195 = arith.constant 0 : i32
    %dma_wait3A_196 = tpu.memref_slice %arg4[%add3A, %dma_wait3A_195] : memref<32x16384xf32, #tpu.memory_space<hbm>> -> memref<1x4096xf32, #tpu.memory_space<hbm>>
    %dma_wait3A_197 = tpu.memref_squeeze %dma_wait3A_196 : memref<1x4096xf32, #tpu.memory_space<hbm>> -> memref<4096xf32, #tpu.memory_space<hbm>>
    %dma_wait3A_198 = arith.constant 0 : i32
    %dma_wait3A_199 = tpu.memref_slice %arg7[%dma_wait3A_188, %dma_wait3A_198] : memref<2x4096xf32, #tpu.memory_space<vmem>> -> memref<1x4096xf32, #tpu.memory_space<vmem>>
    %dma_wait3A_200 = tpu.memref_squeeze %dma_wait3A_199 : memref<1x4096xf32, #tpu.memory_space<vmem>> -> memref<4096xf32, #tpu.memory_space<vmem>>
    tpu.wait_dma2 semaphore(%arg10 : memref<!tpu.dma_semaphore, #tpu.memory_space<semaphore_mem>>) src(%dma_wait3A_200 : memref<4096xf32, #tpu.memory_space<vmem>>) dst(%dma_wait3A_197 : memref<4096xf32, #tpu.memory_space<hbm>>)
    %dma_wait3A_201 = arith.constant 1 : i32
    %dma_wait3A_202 = arith.constant 0 : i32
    %dma_wait3A_203 = tpu.memref_slice %arg7[%dma_wait3A_201, %dma_wait3A_202] : memref<2x4096xf32, #tpu.memory_space<vmem>> -> memref<1x4096xf32, #tpu.memory_space<vmem>>
    %dma_wait3A_204 = tpu.memref_squeeze %dma_wait3A_203 : memref<1x4096xf32, #tpu.memory_space<vmem>> -> memref<4096xf32, #tpu.memory_space<vmem>>
    %dma_wait3A_205 = arith.constant 0 : i32
    %dma_wait3A_206 = tpu.memref_slice %arg4[%add3A, %dma_wait3A_205] : memref<32x16384xf32, #tpu.memory_space<hbm>> -> memref<1x4096xf32, #tpu.memory_space<hbm>>
    %dma_wait3A_207 = tpu.memref_squeeze %dma_wait3A_206 : memref<1x4096xf32, #tpu.memory_space<hbm>> -> memref<4096xf32, #tpu.memory_space<hbm>>
    %dma_wait3A_208 = arith.constant 0 : i32
    %dma_wait3A_209 = tpu.memref_slice %arg4[%add3A, %dma_wait3A_208] : memref<32x16384xf32, #tpu.memory_space<hbm>> -> memref<1x4096xf32, #tpu.memory_space<hbm>>
    %dma_wait3A_210 = tpu.memref_squeeze %dma_wait3A_209 : memref<1x4096xf32, #tpu.memory_space<hbm>> -> memref<4096xf32, #tpu.memory_space<hbm>>
    %dma_wait3A_211 = arith.constant 0 : i32
    %dma_wait3A_212 = tpu.memref_slice %arg7[%dma_wait3A_201, %dma_wait3A_211] : memref<2x4096xf32, #tpu.memory_space<vmem>> -> memref<1x4096xf32, #tpu.memory_space<vmem>>
    %dma_wait3A_213 = tpu.memref_squeeze %dma_wait3A_212 : memref<1x4096xf32, #tpu.memory_space<vmem>> -> memref<4096xf32, #tpu.memory_space<vmem>>
    tpu.wait_dma2 semaphore(%arg10 : memref<!tpu.dma_semaphore, #tpu.memory_space<semaphore_mem>>) src(%dma_wait3A_213 : memref<4096xf32, #tpu.memory_space<vmem>>) dst(%dma_wait3A_210 : memref<4096xf32, #tpu.memory_space<hbm>>)
    return
  }
}

</mosaic_0001>

<sc_bundles>
// kernel: kernel.3.cloned.1.call-start
scs
__scs_entry_jumppad:
0x0: {  	(pc) =	sbr.rel $0x88, $3  }
0x1: {  	(tag) =	ssettag $0x0;
	lr =	simm.s32 $0x1  }
0x2: {  	[smem:$0x3F9F] =	sst lr;
	_ =	strace $0xD0000000  }
0x3: {  	_ = 	snop  }
0x4: {  	_ = 	snop  }
0x5: {  	_ = 	snop  }
0x6: {  	_ = 	snop  }
0x7: {  	_ = 	snop  }
__scs_overlays_trampoline_lowered:
0x8: {  	[smem:$0x3FAE] =	sst s0  }
0x9: {  	[smem:$0x3FAF] =	sst s1  }
0xa: {  	[smem:$0x3FB0] =	sst s2  }
0xb: {  	[smem:$0x3FB1] =	sst s3  }
0xc: {  	[smem:$0x3FB2] =	sst s4  }
0xd: {  	[smem:$0x3FB3] =	sst s5  }
0xe: {  	[smem:$0x3FB4] =	sst s6  }
0xf: {  	[smem:$0x3FB5] =	sst s7  }
0x10: {  	[smem:$0x3FB6] =	sst s8  }
0x11: {  	[smem:$0x3FB7] =	sst s9;
	s0 =	simm.s32 @!p0 $0x0  }
0x12: {  	s1 =	sld [smem:$0x3F9D];
	s0 =	simm.s32 @p0 $0x1  }
0x13: {  	[smem:$0x3FB8] =	sst s0;
	s0 =	simm.s32 @!p1 $0x0  }
0x14: {  	s2 =	sld [smem:$0x3F9C];
	s0 =	simm.s32 @p1 $0x1  }
0x15: {  	[smem:$0x3FB9] =	sst s0;
	s0 =	simm.s32 @!p2 $0x0  }
0x16: {  	s3 =	sld [smem:$0x3FDB];
	s0 =	simm.s32 @p2 $0x1  }
0x17: {  	s4 =	simm.s32 $0x1BF5;
	[smem:$0x3FBB] =	sst s0  }
0x18: {  	s0 =	sld [smem:$0x3F9E];
	_ =	swait.ge [sflag:s4], $0x0  }
0x19: {  	s7 =	sld [smem:$0x3F9F]  }
0x1a: {  	s8 =	sadd.s32 $0xFFFFE003, lr  }
0x1b: {  	s9 =	sadd.s32 $0xFFFFFEF7, lr;
	s5 =	simm.s32 $0xFFFFFFFF;
	p2 =	slt.u32 s8, $0xFFFFF086  }
0x1c: {  	p1 =	slt.u32 s9, $0xF7A;
	s5 =	simm.s32 @!p2 $0x0  }
0x1d: {  	s5 =	simm.s32 @p1 $0x1;
	p0 =	seq.s32 s7, s2  }
0x1e: {  	s7 =	smul.u32 @!p0 $0xF7A, s2;
	p2 =	seq.s32 @!p0 s5, $0x0  }
0x1f: {  	s9 =	smul.u32 $0xF7A, s1;
	s8 =	simm.s32 @!p0 $0x1BF5;
	p2 =	por !p2, p0  }
0x20: {  	[sflag:s8] =	ssyncset.s32 @!p0 $0xFFFFF086;
	s6 =	sadd.s32 @!p0 s3, s7;
	s7 =	simm.s32 @!p0 $0x108  }
0x21: {  	s3 =	sadd.s32 s3, s9;
	s6 =	sadd.s32 @!p0 $0x88, s6;
	s7 =	simm.s32 @p2 $0x1082  }
0x22: {  	[simem:s7], [sflag:s8] =	dma.local @!p0 [hbm:s6], $0xF7A  }
0x23: {  	s9 =	sor.u32 $0xD0000000, s2;
	s6 =	simm.s32 $0x108;
	_ =	swait.ge @!p0 [sflag:s8], $0x0  }
0x24: {  	s3 =	sadd.s32 $0x88, s3;
	s6 =	simm.s32 @!p1 $0x1082;
	[sflag:s4] =	ssyncset.s32 $0xFFFFF086  }
0x25: {  	[simem:s6], [sflag:s4] =	dma.local [hbm:s3], $0xF7A  }
0x26: {  	[smem:$0x3F9F] =	sst s1;
	(tag) =	ssettag s2;
	_ =	strace s9  }
0x27: {  	s1 =	sld [smem:$0x3FAF]  }
0x28: {  	s2 =	sld [smem:$0x3FB0]  }
0x29: {  	s4 =	sld [smem:$0x3FB2]  }
0x2a: {  	p0 =	seq.s32 s5, $0x0;
	s5 =	sld [smem:$0x3FB3]  }
0x2b: {  	s6 =	sld [smem:$0x3FB4]  }
0x2c: {  	s7 =	sld [smem:$0x3FB5]  }
0x2d: {  	s3 =	simm.s32 $0x108;
	s8 =	sld [smem:$0x3FB6]  }
0x2e: {  	s3 =	simm.s32 @!p0 $0x1082;
	s9 =	sld [smem:$0x3FB7]  }
0x2f: {  	lr =	sadd.s32 s0, s3;
	s0 =	sld [smem:$0x3FAE]  }
0x30: {  	s3 =	sld [smem:$0x3FB1]  }
0x31: {  	[smem:$0x3FBA] =	sst s10  }
0x32: {  	s10 =	sld [smem:$0x3FB8];
	_ =	sdelay $0x3  }
0x33: {  	p0 =	seq.s32 s10, $0x1;
	s10 =	sld [smem:$0x3FBA];
	_ =	sdelay $0x3  }
0x34: {  	[smem:$0x3FBA] =	sst s10  }
0x35: {  	s10 =	sld [smem:$0x3FB9];
	_ =	sdelay $0x3  }
0x36: {  	p1 =	seq.s32 s10, $0x1;
	s10 =	sld [smem:$0x3FBA];
	_ =	sdelay $0x3  }
0x37: {  	[smem:$0x3FBA] =	sst s10  }
0x38: {  	s10 =	sld [smem:$0x3FBB]  }
0x39: {  	_ = 	snop;
	(pc) =	sbr.ind lr, $3  }
0x3a: {  	_ = 	snop  }
0x3b: {  	_ = 	snop  }
0x3c: {  	p2 =	seq.s32 s10, $0x1;
	s10 =	sld [smem:$0x3FBA]  }
0x3d: {  	_ =	shalt  }
0x3e: {  	_ =	shalt  }
0x3f: {  	_ =	shalt  }
0x40: {  	_ =	shalt  }
0x41: {  	_ =	shalt  }
0x42: {  	_ =	shalt  }
0x43: {  	_ =	shalt  }
0x44: {  	_ =	shalt  }
0x45: {  	_ =	shalt  }
0x46: {  	_ =	shalt  }
0x47: {  	_ =	shalt  }
0x48: {  	_ =	shalt  }
0x49: {  	_ =	shalt  }
0x4a: {  	_ =	shalt  }
0x4b: {  	_ =	shalt  }
0x4c: {  	_ =	shalt  }
0x4d: {  	_ =	shalt  }
0x4e: {  	_ =	shalt  }
0x4f: {  	_ =	shalt  }
0x50: {  	_ =	shalt  }
0x51: {  	_ =	shalt  }
0x52: {  	_ =	shalt  }
0x53: {  	_ =	shalt  }
0x54: {  	_ =	shalt  }
0x55: {  	_ =	shalt  }
0x56: {  	_ =	shalt  }
0x57: {  	_ =	shalt  }
0x58: {  	_ =	shalt  }
0x59: {  	_ =	shalt  }
0x5a: {  	_ =	shalt  }
0x5b: {  	_ =	shalt  }
0x5c: {  	_ =	shalt  }
0x5d: {  	_ =	shalt  }
0x5e: {  	_ =	shalt  }
0x5f: {  	_ =	shalt  }
0x60: {  	_ =	shalt  }
0x61: {  	_ =	shalt  }
0x62: {  	_ =	shalt  }
0x63: {  	_ =	shalt  }
0x64: {  	_ =	shalt  }
0x65: {  	_ =	shalt  }
0x66: {  	_ =	shalt  }
0x67: {  	_ =	shalt  }
0x68: {  	_ =	shalt  }
0x69: {  	_ =	shalt  }
0x6a: {  	_ =	shalt  }
0x6b: {  	_ =	shalt  }
0x6c: {  	_ =	shalt  }
0x6d: {  	_ =	shalt  }
0x6e: {  	_ =	shalt  }
0x6f: {  	_ =	shalt  }
0x70: {  	_ =	shalt  }
0x71: {  	_ =	shalt  }
0x72: {  	_ =	shalt  }
0x73: {  	_ =	shalt  }
0x74: {  	_ =	shalt  }
0x75: {  	_ =	shalt  }
0x76: {  	_ =	shalt  }
0x77: {  	_ =	shalt  }
0x78: {  	_ =	shalt  }
0x79: {  	_ =	shalt  }
0x7a: {  	_ =	shalt  }
0x7b: {  	_ =	shalt  }
0x7c: {  	_ =	shalt  }
0x7d: {  	_ =	shalt  }
0x7e: {  	_ =	shalt  }
0x7f: {  	_ =	shalt  }
0x80: {  	_ =	shalt  }
0x81: {  	_ =	shalt  }
0x82: {  	_ =	shalt  }
0x83: {  	_ =	shalt  }
0x84: {  	_ =	shalt  }
0x85: {  	_ =	shalt  }
0x86: {  	_ =	shalt  }
0x87: {  	_ =	shalt  }
.Lfunc_end0:
.L_simem_size_0:
called_computation_lowered:
.L_overlay_start_0:
0x88: {  	s2 =	sld [smem:$0x3FD9]  }
0x89: {  	s3 =	sld [smem:$0x3FFE];
	_ =	sdelay $0x1  }
0x8a: {  	s1 =	srdreg.scid  }
0x8b: {  	s0 =	sand.u32 $0x1, s1  }
0x8c: {  	s18 =	sshll.u32 s0, $0xA;
	s2 =	sadd.s32 s3, s2  }
0x8d: {  	s2 =	sadd.s32 s2, s18  }
0x8e: {  	[smem:$0x3FC6] =	sst s2  }
0x8f: {  	_ = 	snop  }
0x90: {  	s2 =	sld [smem:$0x3FC9]  }
0x91: {  	s19 =	sld [smem:$0x3FC8]  }
0x92: {  	s4 =	sld [smem:$0x3FD0];
	(tm) =	ssettm $0x1  }
0x93: {  	s5 =	sld [smem:$0x3FFB];
	_ =	sdelay $0x3  }
0x94: {  	_ =	strace s5  }
0x95: {  	s5 =	sld [smem:$0x3FFC];
	_ =	sdelay $0x3  }
0x96: {  	_ =	strace s5  }
0x97: {  	s5 =	sld [smem:$0x3FFD];
	_ =	sdelay $0x3  }
0x98: {  	_ =	strace s5  }
0x99: {  	_ =	strace $0x8FFFFFFF  }
0x9a: {  	s20 =	sld [smem:$0x3FDB];
	_ =	sdelay $0x1  }
0x9b: {  	s6 =	simm.s32 $_scs_section_size  }
0x9c: {  	s7 =	simm.s32 $_size__tile_overlayer_lowered;
	s8 =	simm.s32 $_tile_overlayer_lowered  }
0x9d: {  	s23 =	simm.s32 $0x1BFF;
	s22 =	sshll.u32 s8, $0x1;
	s5 =	sadd.s32 s6, s20  }
0x9e: {  	s9 =	simm.s32 $0x0;
	s21 =	sshll.u32 s7, $0x1;
	s7 =	sadd.s32 s22, s5  }
0x9f: {  	[timem:s9], [sflag:s23] =	dma.local [hbm:s7], s21  }
0xa0: {  	_ =	swait.ge [sflag:s23], s21  }
0xa1: {  	s6 =	ssub.s32 $0x0, s21;
	[sflag:s23] =	ssyncset.done $0x0  }
0xa2: {  	[sflag:s23] =	ssyncadd.s32 s6;
	_ =	sdelay $0x1  }
0xa3: {  	s24 =	simm.s32 $0x1B8B  }
0xa4: {  	_ =	swait.ge [sflag:s24], $0x1  }
0xa5: {  	[sflag:s24] =	ssyncset.done $0x0  }
0xa6: {  	s25 =	simm.s32 $0x1B8E;
	[sflag:s24] =	ssyncadd.s32 $0xFFFFFFFF  }
0xa7: {  	s26 =	simm.s32 $execute0_lowered;
	[smem:$0x3FD2] =	sst s25  }
0xa8: {  	s6 =	sshll.u32 s26, $0x1;
	_ =	strace $0x80000046;
	[dreg:$0x1] =	wrdreg $0xFFFFFFFF  }
0xa9: {  	s28 =	simm.s32 $_size_execute0_lowered;
	s5 =	sadd.s32 s5, s6;
	[dreg:$0x0] =	wrdreg $0x0  }
0xaa: {  	s6 =	sshll.u32 s28, $0x1;
	[dreg:$0x2] =	wrdreg s5  }
0xab: {  	[dreg:$0x3] =	wrdreg s6  }
0xac: {  	[dreg:$0x4] =	wrdreg $0xC0  }
0xad: {  	_ =	task [dreg:s9], $0x5FFFF  }
0xae: {  	[dreg:$0x1] =	wrdreg $0xFFFFFFFF  }
0xaf: {  	[dreg:$0x0] =	wrdreg $0x60  }
0xb0: {  	[dreg:$0x2] =	wrdreg s2  }
0xb1: {  	[dreg:$0x3] =	wrdreg s19  }
0xb2: {  	[dreg:$0x4] =	wrdreg s4  }
0xb3: {  	[dreg:$0x5] =	wrdreg $0x9  }
0xb4: {  	_ =	task.clear_ibuf [dreg:s9], $0x6FFFF;
	_ =	strace $0x90000046  }
0xb5: {  	s29 =	simm.s32 $0x9;
	_ =	strace $0x80000048  }
0xb6: {  	_ =	swait.ge [sflag:s29], $0x1  }
0xb7: {  	[sflag:s29] =	ssyncadd.s32 $0xFFFFFFFF  }
0xb8: {  	_ =	strace $0x90000048  }
0xb9: {  	_ =	sfence  }
0xba: {  	s30 =	sld [smem:$0x0];
	_ =	sdelay $0x2  }
0xbb: {  	s31 =	sshll.u32 s1, $0xD;
	s1 =	sshrl.u32 s1, $0x2  }
0xbc: {  	s3 =	sand.u32 $0x4000, s31;
	s1 =	sadd.s32 s1, s30  }
0xbd: {  	s0 =	sor.u32 s3, s0;
	s1 =	sshll.u32 s1, $0x11  }
0xbe: {  	s0 =	sor.u32 s1, s0  }
0xbf: {  	s0 =	sadd.s32 $0x8F2B, s0  }
0xc0: {  	[sflag:s0] =	ssyncadd.remote.s32 $0x1  }
0xc1: {  	_ =	sfence.sel $0xFFFF  }
0xc2: {  	[dreg:$0x0] =	wrdreg $0xFFFFFFFF;
	(pc) =	sbr.abs _section_cstart, $3  }
0xc3: {  	[dreg:$0x1] =	wrdreg $0xFFFFFFFF  }
0xc4: {  	_ =	task.clear_ibuf [dreg:s9], $0x2FFFF;
	_ =	strace $0x9FFFFFFF  }
0xc5: {  	(tm) =	ssettm $0x7FFFFFFF  }
tec
execute0_lowered:
.L_overlay_start_1:
0x0: {  	(tag) =	ssettag $0x1  }
0x1: {  	s0 =	rddreg [dreg:$0x0]  }
0x2: {  	s1 =	srdreg.scid;
	s4 =	rddreg [dreg:$0x1]  }
0x3: {  	s6 =	rddreg [dreg:$0x2];
	s2 =	stileid.u32;
	s3 =	simm.s32 $0x0  }
0x4: {  	s13 =	simm.s32 $0x80;
	s14 =	simm.s32 $0x400;
	s15 =	simm.s32 $0x1  }
0x5: {  	s16 =	simm.s32 $0x2;
	s17 =	simm.s32 $0x3;
	s5 =	sand.u32 $0x1, s1  }
0x6: {  	s18 =	simm.s32 $0x0;
	s1 =	rddreg [dreg:$0x3];
	s7 =	sshll.u32 s5, $0x4  }
0x7: {  	[smem:$0x7FF] =	sst s3;
	s8 =	sshll.u32 s2, $0x7;
	s7 =	sor.u32 s2, s7  }
0x8: {  	s5 =	ssub.s32 $0x2, s5;
	s8 =	sand.u32 $0x380, s8;
	s7 =	sshrl.u32 s7, $0x3  }
0x9: {  	s10 =	sshrl.u32 s5, $0x1;
	s9 =	smul.u32 $0xC3800, s7;
	s7 =	sshll.u32 s7, $0x11  }
0xa: {  	_ =	strace $0x80000047;
	s12 =	ssub.s32 s5, s10;
	s7 =	sor.u32 s8, s7  }
0xb: {  	s5 =	sadd.s32 $0x200, s0;
	s9 =	sor.u32 s8, s9;
	s7 =	sshrl.u32 s7, $0x3  }
0xc: {  	s12 =	smax.u32 s12, $0x1;
	s31 =	sshrl.u32 s9, $0x3;
	s6 =	sadd.s32 s6, s7  }
0xd: {  	s7 =	sadd.s32 $0x400, s0;
	s9 =	sadd.s32 $0x600, s0;
	s4 =	sadd.s32 s4, s31  }
0xe: {  	s8 =	sadd.s32 $0x1000, s6;
	s10 =	sadd.s32 $0x2000, s6;
	s11 =	sadd.s32 $0x3000, s6  }
.LBB2_1:
0xf: {  	[tilespmem:s3], [sflag:$0x1] =	stream.strided.gather [hbm4b:s4+s13], $0x18700, s14, s13, $0x38;
	[tilespmem:$0x1C700] =	vst v63  }
0x10: {  	s19 =	simm.s32 $0x18700  }
0x11: {  	s20 =	simm.s32 $0x10;
	s22 =	sadd.s32 $0x0, s0;
	s21 =	simm.s32 $0x18800  }
.LBB2_2:
0x12: {  	[tilespmem:s19], [sflag:$0x2] =	stream.linear.gather [hbm4b:s22+s3], $0x80, $0x38;
	[tilespmem:$0x1C700] =	vst v63  }
0x13: {  	s22 =	smov.u32 s20;
	s19 =	smov.u32 s21;
	p0 =	sne.s32 s20, $0x1F0  }
.Ltmp0:
0x14: {  	s20 =	sadd.s32 $0x10, s20;
	(pc) =	sbr.rel @p0 .LBB2_2-.Ltmp0, $2  }
0x15: {  	_ =	sdelay $0x2  }
0x16: {  	s21 =	sadd.s32 $0x100, s21;
	s22 =	sadd.s32 s22, s0  }
0x17: {  	[tilespmem:s19], [sflag:$0x2] =	stream.linear.gather [hbm4b:s22+s3], $0x80, $0x38;
	[tilespmem:$0x1C700] =	vst v63  }
0x18: {  	_ =	swait.ge [sflag:s15], $0x18700  }
0x19: {  	[sflag:s15] =	ssyncset.done $0x0  }
0x1a: {  	[sflag:s15] =	ssyncadd.s32 $0xFFFE7900  }
0x1b: {  	_ =	swait.ge [sflag:s16], $0x1000  }
0x1c: {  	[sflag:s16] =	ssyncset.done $0x0  }
0x1d: {  	s19 =	simm.s32 $0x0;
	s20 =	simm.s32 $0x18780;
	[sflag:s16] =	ssyncadd.s32 $0xFFFFF000  }
.LBB2_4:
0x1e: {  	p0 =	sne.s32 s19, $0x1F0  }
.Ltmp1:
0x1f: {  	_ = 	snop;
	(pc) =	sbr.rel @p0 .LBB2_4-.Ltmp1, $4  }
0x20: {  	_ = 	snop  }
0x21: {  	s21 =	sadd.s32 s19, s5  }
0x22: {  	[tilespmem:s20], [sflag:$0x2] =	stream.linear.gather [hbm4b:s21+s3], $0x80, $0x38;
	[tilespmem:$0x1C700] =	vst v63  }
0x23: {  	s19 =	sadd.s32 $0x10, s19;
	s20 =	sadd.s32 $0x100, s20  }
0x24: {  	s19 =	simm.s32 $0x18740  }
0x25: {  	v0 =	vld [tilespmem:s19+$0x30]  }
0x26: {  	v1 =	vld [tilespmem:s19+$0xFFFFFFD0]  }
0x27: {  	v2 =	vld [tilespmem:s19+$0xFFFFFFE0]  }
0x28: {  	v3 =	vld [tilespmem:s19+$0xFFFFFFF0]  }
0x29: {  	v4 =	vld [tilespmem:s19+$0x0]  }
0x2a: {  	v6 =	vld [tilespmem:s19+$0x10]  }
0x2b: {  	v7 =	vld [tilespmem:s19+$0x20]  }
0x2c: {  	v8 =	vld [tilespmem:s19+$0xFFFFFFC0]  }
0x2d: {  	v9 =	vld.idx.msk [tilespmem:v0+s3+$0x0], $0xffff  }
0x2e: {  	v10 =	vld.idx.msk [tilespmem:v1+s3+$0x0], $0xffff  }
0x2f: {  	v5 =	vld.idx.msk [tilespmem:v2+s3+$0x0], $0xffff  }
0x30: {  	v3 =	vld.idx.msk [tilespmem:v3+s3+$0x0], $0xffff  }
0x31: {  	v0 =	vld.idx.msk [tilespmem:v4+s3+$0x0], $0xffff  }
0x32: {  	s19 =	simm.s32 $0x1A740;
	v1 =	vld.idx.msk [tilespmem:v6+s3+$0x0], $0xffff  }
0x33: {  	v2 =	vld.idx.msk [tilespmem:v7+s3+$0x0], $0xffff;
	[tilespmem:s19+$0x30] =	vst v9  }
0x34: {  	s20 =	simm.s32 $0x0;
	s21 =	simm.s32 $0x18840;
	v4 =	vld.idx.msk [tilespmem:v8+s3+$0x0], $0xffff;
	[tilespmem:s19+$0xFFFFFFD0] =	vst v10  }
.LBB2_6:
0x35: {  	v6 =	vld [tilespmem:s21+$0x30];
	s20 =	sadd.s32 $0x80, s20;
	[tilespmem:s19+$0xFFFFFFE0] =	vst v5  }
0x36: {  	v5 =	vld [tilespmem:s21+$0xFFFFFFD0];
	p0 =	slt.u32 s20, $0xF80;
	[tilespmem:s19+$0xFFFFFFF0] =	vst v3  }
0x37: {  	v3 =	vld [tilespmem:s21+$0xFFFFFFE0];
	[tilespmem:s19+$0x0] =	vst v0  }
0x38: {  	v0 =	vld [tilespmem:s21+$0xFFFFFFF0];
	[tilespmem:s19+$0x10] =	vst v1  }
0x39: {  	v1 =	vld [tilespmem:s21+$0x0];
	[tilespmem:s19+$0x20] =	vst v2  }
0x3a: {  	v2 =	vld [tilespmem:s21+$0x10];
	[tilespmem:s19+$0xFFFFFFC0] =	vst v4  }
0x3b: {  	v4 =	vld [tilespmem:s21+$0x20]  }
0x3c: {  	v7 =	vld [tilespmem:s21+$0xFFFFFFC0]  }
0x3d: {  	v6 =	vld.idx.msk [tilespmem:v6+s3+$0x0], $0xffff  }
0x3e: {  	v8 =	vld.idx.msk [tilespmem:v5+s3+$0x0], $0xffff  }
0x3f: {  	v5 =	vld.idx.msk [tilespmem:v3+s3+$0x0], $0xffff  }
.Ltmp2:
0x40: {  	v3 =	vld.idx.msk [tilespmem:v0+s3+$0x0], $0xffff;
	(pc) =	sbr.rel @p0 .LBB2_6-.Ltmp2, $4  }
0x41: {  	v0 =	vld.idx.msk [tilespmem:v1+s3+$0x0], $0xffff  }
0x42: {  	s19 =	sadd.s32 $0x100, s19;
	v1 =	vld.idx.msk [tilespmem:v2+s3+$0x0], $0xffff  }
0x43: {  	v2 =	vld.idx.msk [tilespmem:v4+s3+$0x0], $0xffff;
	[tilespmem:s19+$0x30] =	vst v6  }
0x44: {  	s21 =	sadd.s32 $0x100, s21;
	v4 =	vld.idx.msk [tilespmem:v7+s3+$0x0], $0xffff;
	[tilespmem:s19+$0xFFFFFFD0] =	vst v8  }
0x45: {  	[tilespmem:s19+$0xFFFFFFE0] =	vst v5  }
0x46: {  	[tilespmem:s19+$0xFFFFFFF0] =	vst v3  }
0x47: {  	[tilespmem:s19+$0x0] =	vst v0  }
0x48: {  	[tilespmem:s19+$0x10] =	vst v1  }
0x49: {  	s20 =	simm.s32 $0x1A700;
	[tilespmem:s19+$0x20] =	vst v2  }
0x4a: {  	s22 =	sadd.s32 $0x0, s6;
	s21 =	simm.s32 $0x1A800;
	[tilespmem:s19+$0xFFFFFFC0] =	vst v4;
	s19 =	simm.s32 $0x80  }
.LBB2_8:
0x4b: {  	[hbm4b:s22+s3] =	stream.linear.scatter [tilespmem:s20], [sflag:$0x3], $0x80, $0x38;
	[tilespmem:$0x1C700] =	vst v63  }
0x4c: {  	s22 =	smov.u32 s19;
	s20 =	smov.u32 s21;
	p0 =	sne.s32 s19, $0xF80  }
.Ltmp3:
0x4d: {  	s19 =	sadd.s32 $0x80, s19;
	(pc) =	sbr.rel @p0 .LBB2_8-.Ltmp3, $2  }
0x4e: {  	_ =	sdelay $0x2  }
0x4f: {  	s21 =	sadd.s32 $0x100, s21;
	s22 =	sadd.s32 s22, s6  }
0x50: {  	[hbm4b:s22+s3] =	stream.linear.scatter [tilespmem:s20], [sflag:$0x3], $0x80, $0x38;
	[tilespmem:$0x1C700] =	vst v63  }
0x51: {  	_ =	swait.ge [sflag:s16], $0x1000  }
0x52: {  	[sflag:s16] =	ssyncset.done $0x0  }
0x53: {  	s19 =	simm.s32 $0x0;
	s20 =	simm.s32 $0x18700;
	[sflag:s16] =	ssyncadd.s32 $0xFFFFF000  }
.LBB2_10:
0x54: {  	p0 =	sne.s32 s19, $0x1F0  }
.Ltmp4:
0x55: {  	_ = 	snop;
	(pc) =	sbr.rel @p0 .LBB2_10-.Ltmp4, $4  }
0x56: {  	_ = 	snop  }
0x57: {  	s21 =	sadd.s32 s19, s7  }
0x58: {  	[tilespmem:s20], [sflag:$0x2] =	stream.linear.gather [hbm4b:s21+s3], $0x80, $0x38;
	[tilespmem:$0x1C700] =	vst v63  }
0x59: {  	s19 =	sadd.s32 $0x10, s19;
	s20 =	sadd.s32 $0x100, s20  }
0x5a: {  	s19 =	simm.s32 $0x187F0  }
0x5b: {  	v0 =	vld [tilespmem:s19+$0x0]  }
0x5c: {  	v1 =	vld [tilespmem:s19+$0xFFFFFFA0]  }
0x5d: {  	v2 =	vld [tilespmem:s19+$0xFFFFFFB0]  }
0x5e: {  	v3 =	vld [tilespmem:s19+$0xFFFFFFC0]  }
0x5f: {  	v4 =	vld [tilespmem:s19+$0xFFFFFFD0]  }
0x60: {  	v6 =	vld [tilespmem:s19+$0xFFFFFFE0]  }
0x61: {  	v7 =	vld [tilespmem:s19+$0xFFFFFFF0]  }
0x62: {  	v8 =	vld [tilespmem:s19+$0xFFFFFF90]  }
0x63: {  	v9 =	vld.idx.msk [tilespmem:v0+s3+$0x0], $0xffff  }
0x64: {  	v10 =	vld.idx.msk [tilespmem:v1+s3+$0x0], $0xffff  }
0x65: {  	v5 =	vld.idx.msk [tilespmem:v2+s3+$0x0], $0xffff  }
0x66: {  	v3 =	vld.idx.msk [tilespmem:v3+s3+$0x0], $0xffff  }
0x67: {  	v0 =	vld.idx.msk [tilespmem:v4+s3+$0x0], $0xffff  }
0x68: {  	s19 =	simm.s32 $0x1A7F0;
	v1 =	vld.idx.msk [tilespmem:v6+s3+$0x0], $0xffff  }
0x69: {  	v2 =	vld.idx.msk [tilespmem:v7+s3+$0x0], $0xffff;
	[tilespmem:s19+$0x0] =	vst v9  }
0x6a: {  	s20 =	simm.s32 $0x0;
	s21 =	simm.s32 $0x188F0;
	v4 =	vld.idx.msk [tilespmem:v8+s3+$0x0], $0xffff;
	[tilespmem:s19+$0xFFFFFFA0] =	vst v10  }
.LBB2_12:
0x6b: {  	v6 =	vld [tilespmem:s21+$0x0];
	s20 =	sadd.s32 $0x80, s20;
	[tilespmem:s19+$0xFFFFFFB0] =	vst v5  }
0x6c: {  	v5 =	vld [tilespmem:s21+$0xFFFFFFA0];
	p0 =	slt.u32 s20, $0xF80;
	[tilespmem:s19+$0xFFFFFFC0] =	vst v3  }
0x6d: {  	v3 =	vld [tilespmem:s21+$0xFFFFFFB0];
	[tilespmem:s19+$0xFFFFFFD0] =	vst v0  }
0x6e: {  	v0 =	vld [tilespmem:s21+$0xFFFFFFC0];
	[tilespmem:s19+$0xFFFFFFE0] =	vst v1  }
0x6f: {  	v1 =	vld [tilespmem:s21+$0xFFFFFFD0];
	[tilespmem:s19+$0xFFFFFFF0] =	vst v2  }
0x70: {  	v2 =	vld [tilespmem:s21+$0xFFFFFFE0];
	[tilespmem:s19+$0xFFFFFF90] =	vst v4  }
0x71: {  	v4 =	vld [tilespmem:s21+$0xFFFFFFF0]  }
0x72: {  	v7 =	vld [tilespmem:s21+$0xFFFFFF90]  }
0x73: {  	v6 =	vld.idx.msk [tilespmem:v6+s3+$0x0], $0xffff  }
0x74: {  	v8 =	vld.idx.msk [tilespmem:v5+s3+$0x0], $0xffff  }
0x75: {  	v5 =	vld.idx.msk [tilespmem:v3+s3+$0x0], $0xffff  }
.Ltmp5:
0x76: {  	v3 =	vld.idx.msk [tilespmem:v0+s3+$0x0], $0xffff;
	(pc) =	sbr.rel @p0 .LBB2_12-.Ltmp5, $4  }
0x77: {  	v0 =	vld.idx.msk [tilespmem:v1+s3+$0x0], $0xffff  }
0x78: {  	s19 =	sadd.s32 $0x100, s19;
	v1 =	vld.idx.msk [tilespmem:v2+s3+$0x0], $0xffff  }
0x79: {  	v2 =	vld.idx.msk [tilespmem:v4+s3+$0x0], $0xffff;
	[tilespmem:s19+$0x0] =	vst v6  }
0x7a: {  	s21 =	sadd.s32 $0x100, s21;
	v4 =	vld.idx.msk [tilespmem:v7+s3+$0x0], $0xffff;
	[tilespmem:s19+$0xFFFFFFA0] =	vst v8  }
0x7b: {  	[tilespmem:s19+$0xFFFFFFB0] =	vst v5  }
0x7c: {  	[tilespmem:s19+$0xFFFFFFC0] =	vst v3  }
0x7d: {  	[tilespmem:s19+$0xFFFFFFD0] =	vst v0  }
0x7e: {  	[tilespmem:s19+$0xFFFFFFE0] =	vst v1  }
0x7f: {  	s20 =	simm.s32 $0x1A780;
	[tilespmem:s19+$0xFFFFFFF0] =	vst v2  }
0x80: {  	s22 =	sadd.s32 $0x0, s8;
	s21 =	simm.s32 $0x1A880;
	[tilespmem:s19+$0xFFFFFF90] =	vst v4;
	s19 =	simm.s32 $0x80  }
.LBB2_14:
0x81: {  	[hbm4b:s22+s3] =	stream.linear.scatter [tilespmem:s20], [sflag:$0x3], $0x80, $0x38;
	[tilespmem:$0x1C700] =	vst v63  }
0x82: {  	s22 =	smov.u32 s19;
	s20 =	smov.u32 s21;
	p0 =	sne.s32 s19, $0xF80  }
.Ltmp6:
0x83: {  	s19 =	sadd.s32 $0x80, s19;
	(pc) =	sbr.rel @p0 .LBB2_14-.Ltmp6, $2  }
0x84: {  	_ =	sdelay $0x2  }
0x85: {  	s21 =	sadd.s32 $0x100, s21;
	s22 =	sadd.s32 s22, s8  }
0x86: {  	[hbm4b:s22+s3] =	stream.linear.scatter [tilespmem:s20], [sflag:$0x3], $0x80, $0x38;
	[tilespmem:$0x1C700] =	vst v63  }
0x87: {  	_ =	swait.ge [sflag:s16], $0x1000  }
0x88: {  	s19 =	simm.s32 $0x18780;
	s20 =	simm.s32 $0x10;
	[sflag:s16] =	ssyncset.done $0x0  }
0x89: {  	s22 =	sadd.s32 $0x0, s9;
	s21 =	simm.s32 $0x18880;
	[sflag:s16] =	ssyncadd.s32 $0xFFFFF000  }
.LBB2_16:
0x8a: {  	[tilespmem:s19], [sflag:$0x2] =	stream.linear.gather [hbm4b:s22+s3], $0x80, $0x38;
	[tilespmem:$0x1C700] =	vst v63  }
0x8b: {  	s22 =	smov.u32 s20;
	s19 =	smov.u32 s21;
	p0 =	sne.s32 s20, $0x1F0  }
.Ltmp7:
0x8c: {  	s20 =	sadd.s32 $0x10, s20;
	(pc) =	sbr.rel @p0 .LBB2_16-.Ltmp7, $2  }
0x8d: {  	_ =	sdelay $0x2  }
0x8e: {  	s21 =	sadd.s32 $0x100, s21;
	s22 =	sadd.s32 s22, s9  }
0x8f: {  	[tilespmem:s19], [sflag:$0x2] =	stream.linear.gather [hbm4b:s22+s3], $0x80, $0x38;
	[tilespmem:$0x1C700] =	vst v63  }
0x90: {  	_ =	swait.ge [sflag:s17], $0x1000  }
0x91: {  	[sflag:s17] =	ssyncset.done $0x0  }
0x92: {  	s31 =	simm.s32 $0x18740;
	[sflag:s17] =	ssyncadd.s32 $0xFFFFF000  }
0x93: {  	v0 =	vld [tilespmem:s31+$0x30]  }
0x94: {  	v1 =	vld [tilespmem:s31+$0xFFFFFFD0]  }
0x95: {  	v2 =	vld [tilespmem:s31+$0xFFFFFFE0]  }
0x96: {  	v3 =	vld [tilespmem:s31+$0xFFFFFFF0]  }
0x97: {  	v4 =	vld [tilespmem:s31+$0x0]  }
0x98: {  	v6 =	vld [tilespmem:s31+$0x10]  }
0x99: {  	v7 =	vld [tilespmem:s31+$0x20]  }
0x9a: {  	v8 =	vld [tilespmem:s31+$0xFFFFFFC0]  }
0x9b: {  	v9 =	vld.idx.msk [tilespmem:v0+s3+$0x0], $0xffff  }
0x9c: {  	v10 =	vld.idx.msk [tilespmem:v1+s3+$0x0], $0xffff  }
0x9d: {  	v5 =	vld.idx.msk [tilespmem:v2+s3+$0x0], $0xffff  }
0x9e: {  	v3 =	vld.idx.msk [tilespmem:v3+s3+$0x0], $0xffff  }
0x9f: {  	v0 =	vld.idx.msk [tilespmem:v4+s3+$0x0], $0xffff  }
0xa0: {  	s19 =	simm.s32 $0x1A740;
	v1 =	vld.idx.msk [tilespmem:v6+s3+$0x0], $0xffff  }
0xa1: {  	v2 =	vld.idx.msk [tilespmem:v7+s3+$0x0], $0xffff;
	[tilespmem:s19+$0x30] =	vst v9  }
0xa2: {  	s20 =	simm.s32 $0x0;
	s21 =	simm.s32 $0x18840;
	v4 =	vld.idx.msk [tilespmem:v8+s3+$0x0], $0xffff;
	[tilespmem:s19+$0xFFFFFFD0] =	vst v10  }
.LBB2_18:
0xa3: {  	v6 =	vld [tilespmem:s21+$0x30];
	s20 =	sadd.s32 $0x80, s20;
	[tilespmem:s19+$0xFFFFFFE0] =	vst v5  }
0xa4: {  	v5 =	vld [tilespmem:s21+$0xFFFFFFD0];
	p0 =	slt.u32 s20, $0xF80;
	[tilespmem:s19+$0xFFFFFFF0] =	vst v3  }
0xa5: {  	v3 =	vld [tilespmem:s21+$0xFFFFFFE0];
	[tilespmem:s19+$0x0] =	vst v0  }
0xa6: {  	v0 =	vld [tilespmem:s21+$0xFFFFFFF0];
	[tilespmem:s19+$0x10] =	vst v1  }
0xa7: {  	v1 =	vld [tilespmem:s21+$0x0];
	[tilespmem:s19+$0x20] =	vst v2  }
0xa8: {  	v2 =	vld [tilespmem:s21+$0x10];
	[tilespmem:s19+$0xFFFFFFC0] =	vst v4  }
0xa9: {  	v4 =	vld [tilespmem:s21+$0x20]  }
0xaa: {  	v7 =	vld [tilespmem:s21+$0xFFFFFFC0]  }
0xab: {  	v6 =	vld.idx.msk [tilespmem:v6+s3+$0x0], $0xffff  }
0xac: {  	v8 =	vld.idx.msk [tilespmem:v5+s3+$0x0], $0xffff  }
0xad: {  	v5 =	vld.idx.msk [tilespmem:v3+s3+$0x0], $0xffff  }
.Ltmp8:
0xae: {  	v3 =	vld.idx.msk [tilespmem:v0+s3+$0x0], $0xffff;
	(pc) =	sbr.rel @p0 .LBB2_18-.Ltmp8, $4  }
0xaf: {  	v0 =	vld.idx.msk [tilespmem:v1+s3+$0x0], $0xffff  }
0xb0: {  	s19 =	sadd.s32 $0x100, s19;
	v1 =	vld.idx.msk [tilespmem:v2+s3+$0x0], $0xffff  }
0xb1: {  	v2 =	vld.idx.msk [tilespmem:v4+s3+$0x0], $0xffff;
	[tilespmem:s19+$0x30] =	vst v6  }
0xb2: {  	s21 =	sadd.s32 $0x100, s21;
	v4 =	vld.idx.msk [tilespmem:v7+s3+$0x0], $0xffff;
	[tilespmem:s19+$0xFFFFFFD0] =	vst v8  }
0xb3: {  	[tilespmem:s19+$0xFFFFFFE0] =	vst v5  }
0xb4: {  	[tilespmem:s19+$0xFFFFFFF0] =	vst v3  }
0xb5: {  	[tilespmem:s19+$0x0] =	vst v0  }
0xb6: {  	[tilespmem:s19+$0x10] =	vst v1  }
0xb7: {  	s20 =	simm.s32 $0x1A700;
	[tilespmem:s19+$0x20] =	vst v2  }
0xb8: {  	s22 =	sadd.s32 $0x0, s10;
	s21 =	simm.s32 $0x1A800;
	[tilespmem:s19+$0xFFFFFFC0] =	vst v4;
	s19 =	simm.s32 $0x80  }
.LBB2_20:
0xb9: {  	[hbm4b:s22+s3] =	stream.linear.scatter [tilespmem:s20], [sflag:$0x3], $0x80, $0x38;
	[tilespmem:$0x1C700] =	vst v63  }
0xba: {  	s22 =	smov.u32 s19;
	s20 =	smov.u32 s21;
	p0 =	sne.s32 s19, $0xF80  }
.Ltmp9:
0xbb: {  	s19 =	sadd.s32 $0x80, s19;
	(pc) =	sbr.rel @p0 .LBB2_20-.Ltmp9, $2  }
0xbc: {  	_ =	sdelay $0x2  }
0xbd: {  	s21 =	sadd.s32 $0x100, s21;
	s22 =	sadd.s32 s22, s10  }
0xbe: {  	[hbm4b:s22+s3] =	stream.linear.scatter [tilespmem:s20], [sflag:$0x3], $0x80, $0x38;
	[tilespmem:$0x1C700] =	vst v63  }
0xbf: {  	_ =	swait.ge [sflag:s16], $0x1000  }
0xc0: {  	[sflag:s16] =	ssyncset.done $0x0  }
0xc1: {  	[sflag:s16] =	ssyncadd.s32 $0xFFFFF000  }
0xc2: {  	_ =	swait.ge [sflag:s17], $0x1000  }
0xc3: {  	[sflag:s17] =	ssyncset.done $0x0  }
0xc4: {  	s19 =	simm.s32 $0x187F0;
	[sflag:s17] =	ssyncadd.s32 $0xFFFFF000  }
0xc5: {  	v0 =	vld [tilespmem:s19+$0x0]  }
0xc6: {  	v1 =	vld [tilespmem:s19+$0xFFFFFFA0]  }
0xc7: {  	v2 =	vld [tilespmem:s19+$0xFFFFFFB0]  }
0xc8: {  	v3 =	vld [tilespmem:s19+$0xFFFFFFC0]  }
0xc9: {  	v4 =	vld [tilespmem:s19+$0xFFFFFFD0]  }
0xca: {  	v6 =	vld [tilespmem:s19+$0xFFFFFFE0]  }
0xcb: {  	v7 =	vld [tilespmem:s19+$0xFFFFFFF0]  }
0xcc: {  	v8 =	vld [tilespmem:s19+$0xFFFFFF90]  }
0xcd: {  	v9 =	vld.idx.msk [tilespmem:v0+s3+$0x0], $0xffff  }
0xce: {  	v10 =	vld.idx.msk [tilespmem:v1+s3+$0x0], $0xffff  }
0xcf: {  	v5 =	vld.idx.msk [tilespmem:v2+s3+$0x0], $0xffff  }
0xd0: {  	v3 =	vld.idx.msk [tilespmem:v3+s3+$0x0], $0xffff  }
0xd1: {  	v0 =	vld.idx.msk [tilespmem:v4+s3+$0x0], $0xffff  }
0xd2: {  	s19 =	simm.s32 $0x1A7F0;
	v1 =	vld.idx.msk [tilespmem:v6+s3+$0x0], $0xffff  }
0xd3: {  	v2 =	vld.idx.msk [tilespmem:v7+s3+$0x0], $0xffff;
	[tilespmem:s19+$0x0] =	vst v9  }
0xd4: {  	s20 =	simm.s32 $0x0;
	s21 =	simm.s32 $0x188F0;
	v4 =	vld.idx.msk [tilespmem:v8+s3+$0x0], $0xffff;
	[tilespmem:s19+$0xFFFFFFA0] =	vst v10  }
.LBB2_22:
0xd5: {  	v6 =	vld [tilespmem:s21+$0x0];
	s20 =	sadd.s32 $0x80, s20;
	[tilespmem:s19+$0xFFFFFFB0] =	vst v5  }
0xd6: {  	v5 =	vld [tilespmem:s21+$0xFFFFFFA0];
	p0 =	slt.u32 s20, $0xF80;
	[tilespmem:s19+$0xFFFFFFC0] =	vst v3  }
0xd7: {  	v3 =	vld [tilespmem:s21+$0xFFFFFFB0];
	[tilespmem:s19+$0xFFFFFFD0] =	vst v0  }
0xd8: {  	v0 =	vld [tilespmem:s21+$0xFFFFFFC0];
	[tilespmem:s19+$0xFFFFFFE0] =	vst v1  }
0xd9: {  	v1 =	vld [tilespmem:s21+$0xFFFFFFD0];
	[tilespmem:s19+$0xFFFFFFF0] =	vst v2  }
0xda: {  	v2 =	vld [tilespmem:s21+$0xFFFFFFE0];
	[tilespmem:s19+$0xFFFFFF90] =	vst v4  }
0xdb: {  	v4 =	vld [tilespmem:s21+$0xFFFFFFF0]  }
0xdc: {  	v7 =	vld [tilespmem:s21+$0xFFFFFF90]  }
0xdd: {  	v6 =	vld.idx.msk [tilespmem:v6+s3+$0x0], $0xffff  }
0xde: {  	v8 =	vld.idx.msk [tilespmem:v5+s3+$0x0], $0xffff  }
0xdf: {  	v5 =	vld.idx.msk [tilespmem:v3+s3+$0x0], $0xffff  }
.Ltmp10:
0xe0: {  	v3 =	vld.idx.msk [tilespmem:v0+s3+$0x0], $0xffff;
	(pc) =	sbr.rel @p0 .LBB2_22-.Ltmp10, $4  }
0xe1: {  	v0 =	vld.idx.msk [tilespmem:v1+s3+$0x0], $0xffff  }
0xe2: {  	s19 =	sadd.s32 $0x100, s19;
	v1 =	vld.idx.msk [tilespmem:v2+s3+$0x0], $0xffff  }
0xe3: {  	v2 =	vld.idx.msk [tilespmem:v4+s3+$0x0], $0xffff;
	[tilespmem:s19+$0x0] =	vst v6  }
0xe4: {  	s21 =	sadd.s32 $0x100, s21;
	v4 =	vld.idx.msk [tilespmem:v7+s3+$0x0], $0xffff;
	[tilespmem:s19+$0xFFFFFFA0] =	vst v8  }
0xe5: {  	[tilespmem:s19+$0xFFFFFFB0] =	vst v5  }
0xe6: {  	[tilespmem:s19+$0xFFFFFFC0] =	vst v3  }
0xe7: {  	[tilespmem:s19+$0xFFFFFFD0] =	vst v0  }
0xe8: {  	[tilespmem:s19+$0xFFFFFFE0] =	vst v1  }
0xe9: {  	s20 =	simm.s32 $0x1A780;
	[tilespmem:s19+$0xFFFFFFF0] =	vst v2  }
0xea: {  	s22 =	sadd.s32 $0x0, s11;
	s21 =	simm.s32 $0x1A880;
	[tilespmem:s19+$0xFFFFFF90] =	vst v4;
	s19 =	simm.s32 $0x80  }
.LBB2_24:
0xeb: {  	[hbm4b:s22+s3] =	stream.linear.scatter [tilespmem:s20], [sflag:$0x3], $0x80, $0x38;
	[tilespmem:$0x1C700] =	vst v63  }
0xec: {  	s22 =	smov.u32 s19;
	s20 =	smov.u32 s21;
	p0 =	sne.s32 s19, $0xF80  }
.Ltmp11:
0xed: {  	s19 =	sadd.s32 $0x80, s19;
	(pc) =	sbr.rel @p0 .LBB2_24-.Ltmp11, $2  }
0xee: {  	_ =	sdelay $0x2  }
0xef: {  	s21 =	sadd.s32 $0x100, s21;
	s22 =	sadd.s32 s22, s11  }
0xf0: {  	[hbm4b:s22+s3] =	stream.linear.scatter [tilespmem:s20], [sflag:$0x3], $0x80, $0x38;
	[tilespmem:$0x1C700] =	vst v63  }
0xf1: {  	s18 =	sadd.s32 $0x1, s18  }
0xf2: {  	_ =	swait.ge [sflag:s17], $0x1000;
	p0 =	sne.s32 s18, s12  }
.Ltmp12:
0xf3: {  	[sflag:s17] =	ssyncset.done $0x0;
	(pc) =	sbr.rel @p0 .LBB2_1-.Ltmp12, $4  }
0xf4: {  	[sflag:s17] =	ssyncadd.s32 $0xFFFFF000  }
0xf5: {  	_ =	swait.ge [sflag:s17], $0x1000  }
0xf6: {  	[sflag:s17] =	ssyncset.done $0x0  }
0xf7: {  	[sflag:s17] =	ssyncadd.s32 $0xFFFFF000  }
0xf8: {  	_ =	sfence.sel $0x180000  }
0xf9: {  	[bflag:$0x0] =	sbarrier.arrive $0xFFFF  }
0xfa: {  	p0 =	sne.s32 s2, $0x0;
	_ =	strace $0x90000047  }
0xfb: {  	s0 =	sadd.s32 @!p0 $0x100000, s1;
	[bflag:$0x2] =	sbarrier.arrive $0xFFFF  }
0xfc: {  	[sflag:s0] =	ssyncadd.tile.s32 @!p0 $0x1;
	_ =	shalt  }
.Lfunc_end2:
_tile_overlayer_lowered:
.L_overlay_start_2:
0xfd: {  	(tag) =	ssettag $0x2  }
0xfe: {  	s0 =	rddreg [dreg:$0x0];
	s2 =	stileid.u32  }
0xff: {  	s1 =	rddreg [dreg:$0x1];
	p0 =	sne.s32 s2, $0x0  }
0x100: {  	s3 =	rddreg [dreg:$0x2];
	[bflag:$0x3] =	sbarrier.arrive $0xFFFF;
	s2 =	simm.s32 @!p0 $0x1C04  }
0x101: {  	[timem:s3], [sflag:s2] =	dma.local @!p0 [hbm:s0], s1  }
0x102: {  	s0 =	simm.s32 @!p0 $0x4  }
0x103: {  	_ =	swait.ge @!p0 [sflag:s0], s1  }
0x104: {  	s1 =	ssub.s32 @!p0 $0x0, s1;
	[sflag:s0] =	ssyncset.done @!p0 $0x0  }
0x105: {  	[sflag:s0] =	ssyncadd.s32 @!p0 s1  }
0x106: {  	[bflag:$0x3] =	sbarrier.arrive $0xFFFF  }
0x107: {  	_ =	shalt  }

</sc_bundles>
